<compile_context>
chip_gen: v7x
topology: tpu7x:2x2x1
jax: 0.10.2.dev20260603
libtpu: 0.0.44.dev20260713+nightly
codegen_flags: <defaults>
</compile_context>

<pallas_src>
import jax
import jax.numpy as jnp
from jax import lax
from jax.experimental import pallas as pl
from jax.experimental.pallas import tpu as pltpu
from jax.experimental.pallas import tpu_sc as plsc

BAG = 1024
SEQ = 200
WORD_DIM = 64
POS_DIM = 16
OUT_DIM = WORD_DIM + 2 * POS_DIM
NUM_CORES = 2
NUM_SUBCORES = 16
NW = NUM_CORES * NUM_SUBCORES
CHUNK = 128
KPB = BAG // CHUNK
N_CHUNKS_ALL = SEQ * KPB
PER_W = N_CHUNKS_ALL // NW
IDX_ROWS = 7
NSLOT = 4
GDIST = 2
WPAD = 2 * WORD_DIM
TOTAL_STEPS = ((PER_W + GDIST + NSLOT - 1) // NSLOT) * NSLOT

P1_OFF = WORD_DIM
P2_OFF = WORD_DIM + POS_DIM


def _body(wordT, pos1T, pos2T, ww_hbm, wp1_hbm, wp2_hbm, out_hbm,
          widx, p1idx, p2idx, wrows, p1rows, p2rows, gsems, wsems):
    wid = lax.axis_index("s") * NUM_CORES + lax.axis_index("c")
    c0 = wid * PER_W
    tlo = lax.div(c0, KPB)

    pltpu.sync_copy(wordT.at[pl.ds(tlo, IDX_ROWS)], widx)
    pltpu.sync_copy(pos1T.at[pl.ds(tlo, IDX_ROWS)], p1idx)
    pltpu.sync_copy(pos2T.at[pl.ds(tlo, IDX_ROWS)], p2idx)

    def coords(cl):
        cg = c0 + cl
        t = lax.div(cg, KPB)
        return t - tlo, t, lax.rem(cg, KPB)

    def slot_bufs(b):
        sl = pl.ds(b * CHUNK, CHUNK)
        return wrows.at[sl], p1rows.at[sl], p2rows.at[sl]

    def word_src(b):
        return wrows.at[pl.ds(b * CHUNK, CHUNK), pl.ds(0, WORD_DIM)]

    def out_slices(cl):
        tr, t, k = coords(cl)
        bags = pl.ds(k * CHUNK, CHUNK)
        return (out_hbm.at[bags, 0, t, pl.ds(0, WORD_DIM)],
                out_hbm.at[bags, 0, t, pl.ds(P1_OFF, POS_DIM)],
                out_hbm.at[bags, 0, t, pl.ds(P2_OFF, POS_DIM)])

    def idx_slices(cl):
        tr, t, k = coords(cl)
        sl = pl.ds(k * CHUNK, CHUNK)
        return widx.at[tr, sl], p1idx.at[tr, sl], p2idx.at[tr, sl]

    def wait_writes(b, cl):
        _, p1r, p2r = slot_bufs(b)
        ow, o1, o2 = out_slices(cl)
        pltpu.make_async_copy(word_src(b), ow, wsems.at[b]).wait()
        pltpu.make_async_copy(p1r, o1, wsems.at[b]).wait()
        pltpu.make_async_copy(p2r, o2, wsems.at[b]).wait()

    @pl.loop(0, TOTAL_STEPS, step=NSLOT)
    def _steps(c0_step):
        for b in range(NSLOT):
            c = c0_step + b
            cd = c - GDIST
            bd = (b - GDIST) % NSLOT

            @pl.when((cd >= 0) & (cd < PER_W))
            def _drain():
                wr, p1r, p2r = slot_bufs(bd)
                iw, i1, i2 = idx_slices(cd)
                ow, o1, o2 = out_slices(cd)
                pltpu.make_async_copy(ww_hbm.at[iw], wr, gsems.at[bd]).wait()
                pltpu.make_async_copy(wp1_hbm.at[i1], p1r, gsems.at[bd]).wait()
                pltpu.make_async_copy(wp2_hbm.at[i2], p2r, gsems.at[bd]).wait()
                pltpu.async_copy(word_src(bd), ow, wsems.at[bd])
                pltpu.async_copy(p1r, o1, wsems.at[bd])
                pltpu.async_copy(p2r, o2, wsems.at[bd])

            @pl.when(c < PER_W)
            def _fire():
                @pl.when(c >= NSLOT)
                def _wait_prev_write():
                    wait_writes(b, c - NSLOT)

                wr, p1r, p2r = slot_bufs(b)
                iw, i1, i2 = idx_slices(c)
                pltpu.async_copy(ww_hbm.at[iw], wr, gsems.at[b])
                pltpu.async_copy(wp1_hbm.at[i1], p1r, gsems.at[b])
                pltpu.async_copy(wp2_hbm.at[i2], p2r, gsems.at[b])

    for cl in range(PER_W - NSLOT, PER_W):
        wait_writes(cl % NSLOT, cl)


_embed = pl.kernel(
    _body,
    out_type=jax.ShapeDtypeStruct((BAG, 1, SEQ, OUT_DIM), jnp.float32),
    mesh=plsc.VectorSubcoreMesh(core_axis_name="c", subcore_axis_name="s"),
    scratch_types=[
        pltpu.VMEM((IDX_ROWS, BAG), jnp.int32),
        pltpu.VMEM((IDX_ROWS, BAG), jnp.int32),
        pltpu.VMEM((IDX_ROWS, BAG), jnp.int32),
        pltpu.VMEM((NSLOT * CHUNK, WPAD), jnp.float32),
        pltpu.VMEM((NSLOT * CHUNK, POS_DIM), jnp.float32),
        pltpu.VMEM((NSLOT * CHUNK, POS_DIM), jnp.float32),
        pltpu.SemaphoreType.DMA((NSLOT,)),
        pltpu.SemaphoreType.DMA((NSLOT,)),
    ],
    compiler_params=pltpu.CompilerParams(use_tc_tiling_on_sc=False),
)


def kernel(word, position1, position2, W_word, W_pos1, W_pos2):
    w_padded = jnp.pad(W_word, ((0, 0), (0, WPAD - WORD_DIM)))
    return _embed(word.T, position1.T, position2.T, w_padded, W_pos1, W_pos2)

# --- scband reference (transcript-rebuilt; emitter-appended) ---
"""Pipeline reference for scband-embedding-31421980737593 (READ-ONLY COPY).

The authoritative reference and input builder live on the scoring server;
editing this copy changes nothing except your own understanding.
"""

import jax, jax.numpy as jnp
import numpy as np

VOCAB = 1000000
WORD_DIM = 64
POS_VOCAB = 512
POS_DIM = 16
BAG = 1024
SEQ = 200


def setup_inputs(seed: int = 0) -> dict:
    key = jax.random.key(seed)
    k1, k2, k3, k4, k5, k6 = jax.random.split(key, 6)
    word = jax.random.randint(k1, (BAG, SEQ), 0, VOCAB, dtype=jnp.int32)
    position1 = jax.random.randint(k2, (BAG, SEQ), 0, POS_VOCAB, dtype=jnp.int32)
    position2 = jax.random.randint(k3, (BAG, SEQ), 0, POS_VOCAB, dtype=jnp.int32)
    W_word = jax.random.normal(k4, (VOCAB, WORD_DIM), dtype=jnp.float32) * 0.02
    W_pos1 = jax.random.normal(k5, (POS_VOCAB, POS_DIM), dtype=jnp.float32) * 0.02
    W_pos2 = jax.random.normal(k6, (POS_VOCAB, POS_DIM), dtype=jnp.float32) * 0.02
    return {"word": word, "position1": position1, "position2": position2,
            "W_word": W_word, "W_pos1": W_pos1, "W_pos2": W_pos2}


def reference(word, position1, position2, W_word, W_pos1, W_pos2):
    embedded_word = jnp.take(W_word, word, axis=0)
    embedded_pos1 = jnp.take(W_pos1, position1, axis=0)
    embedded_pos2 = jnp.take(W_pos2, position2, axis=0)
    output = jnp.concatenate([embedded_word, embedded_pos1, embedded_pos2], axis=2)
    output = output[:, None, :, :]
    return output

if __name__ == "__main__":
    import jax
    _d = setup_inputs()
    print(jax.jit(kernel)(*tuple(_d.values())))

</pallas_src>

<mosaic_0001>
#map = affine_map<(d0, d1) -> (0, 0)>
#map1 = affine_map<(d0, d1) -> (0, 0, 0, 0)>
module attributes {stable_mosaic.version = 14 : i64} {
  func.func @_body(%arg0: i32, %arg1: i32, %arg2: memref<200x1024xi32, #tpu.memory_space<hbm>>, %arg3: memref<200x1024xi32, #tpu.memory_space<hbm>>, %arg4: memref<200x1024xi32, #tpu.memory_space<hbm>>, %arg5: memref<1000000x128xf32, #tpu.memory_space<hbm>>, %arg6: memref<512x16xf32, #tpu.memory_space<hbm>>, %arg7: memref<512x16xf32, #tpu.memory_space<hbm>>, %arg8: memref<1024x1x200x96xf32, #tpu.memory_space<hbm>>, %arg9: memref<7x1024xi32, #tpu.memory_space<vmem>>, %arg10: memref<7x1024xi32, #tpu.memory_space<vmem>>, %arg11: memref<7x1024xi32, #tpu.memory_space<vmem>>, %arg12: memref<512x128xf32, #tpu.memory_space<vmem>>, %arg13: memref<512x16xf32, #tpu.memory_space<vmem>>, %arg14: memref<512x16xf32, #tpu.memory_space<vmem>>, %arg15: memref<4x!tpu.dma_semaphore, #tpu.memory_space<semaphore_mem>>, %arg16: memref<4x!tpu.dma_semaphore, #tpu.memory_space<semaphore_mem>>) attributes {dimension_semantics = [#tpu.dimension_semantics<core_parallel>, #tpu.dimension_semantics<subcore_parallel>], iteration_bounds = array<i64: 2, 16>, scalar_prefetch = 0 : i64, scratch_operands = 8 : i64, tpu.core_type = #tpu.core_type<sc_vector_subcore>, window_params = [{transform_indices = #map}, {transform_indices = #map}, {transform_indices = #map}, {transform_indices = #map}, {transform_indices = #map}, {transform_indices = #map}, {transform_indices = #map1}]} {
    %mul3A = arith.constant 2 : i32
    %mul3A_0 = arith.muli %arg1, %mul3A : i32
    %add3A = arith.addi %mul3A_0, %arg0 : i32
    %mul3A_1 = arith.constant 50 : i32
    %mul3A_2 = arith.muli %add3A, %mul3A_1 : i32
    %div3A = arith.constant 8 : i32
    %div3A_3 = arith.divsi %mul3A_2, %div3A : i32
    "tpu.region"() ({
      %run_scoped3A = tpu.sem_alloc : memref<!tpu.dma_semaphore, #tpu.memory_space<semaphore_mem>>
      %dma_start3A = arith.constant 0 : i32
      %dma_start3A_233 = tpu.memref_slice %arg2[%div3A_3, %dma_start3A] : memref<200x1024xi32, #tpu.memory_space<hbm>> -> memref<7x1024xi32, #tpu.memory_space<hbm>>
      %dma_start3A_234 = arith.constant 0 : i32
      %dma_start3A_235 = tpu.memref_slice %arg2[%div3A_3, %dma_start3A_234] : memref<200x1024xi32, #tpu.memory_space<hbm>> -> memref<7x1024xi32, #tpu.memory_space<hbm>>
      tpu.enqueue_dma source(%dma_start3A_235 : memref<7x1024xi32, #tpu.memory_space<hbm>>) target(%arg9 : memref<7x1024xi32, #tpu.memory_space<vmem>>) target_semaphore(%run_scoped3A : memref<!tpu.dma_semaphore, #tpu.memory_space<semaphore_mem>>)
      %dma_wait3A_236 = arith.constant 0 : i32
      %dma_wait3A_237 = tpu.memref_slice %arg2[%div3A_3, %dma_wait3A_236] : memref<200x1024xi32, #tpu.memory_space<hbm>> -> memref<7x1024xi32, #tpu.memory_space<hbm>>
      %dma_wait3A_238 = arith.constant 0 : i32
      %dma_wait3A_239 = tpu.memref_slice %arg2[%div3A_3, %dma_wait3A_238] : memref<200x1024xi32, #tpu.memory_space<hbm>> -> memref<7x1024xi32, #tpu.memory_space<hbm>>
      tpu.wait_dma2 semaphore(%run_scoped3A : memref<!tpu.dma_semaphore, #tpu.memory_space<semaphore_mem>>) src(%dma_wait3A_239 : memref<7x1024xi32, #tpu.memory_space<hbm>>) dst(%arg9 : memref<7x1024xi32, #tpu.memory_space<vmem>>)
      tpu.yield
    }) : () -> ()
    "tpu.region"() ({
      %run_scoped3A = tpu.sem_alloc : memref<!tpu.dma_semaphore, #tpu.memory_space<semaphore_mem>>
      %dma_start3A = arith.constant 0 : i32
      %dma_start3A_233 = tpu.memref_slice %arg3[%div3A_3, %dma_start3A] : memref<200x1024xi32, #tpu.memory_space<hbm>> -> memref<7x1024xi32, #tpu.memory_space<hbm>>
      %dma_start3A_234 = arith.constant 0 : i32
      %dma_start3A_235 = tpu.memref_slice %arg3[%div3A_3, %dma_start3A_234] : memref<200x1024xi32, #tpu.memory_space<hbm>> -> memref<7x1024xi32, #tpu.memory_space<hbm>>
      tpu.enqueue_dma source(%dma_start3A_235 : memref<7x1024xi32, #tpu.memory_space<hbm>>) target(%arg10 : memref<7x1024xi32, #tpu.memory_space<vmem>>) target_semaphore(%run_scoped3A : memref<!tpu.dma_semaphore, #tpu.memory_space<semaphore_mem>>)
      %dma_wait3A_236 = arith.constant 0 : i32
      %dma_wait3A_237 = tpu.memref_slice %arg3[%div3A_3, %dma_wait3A_236] : memref<200x1024xi32, #tpu.memory_space<hbm>> -> memref<7x1024xi32, #tpu.memory_space<hbm>>
      %dma_wait3A_238 = arith.constant 0 : i32
      %dma_wait3A_239 = tpu.memref_slice %arg3[%div3A_3, %dma_wait3A_238] : memref<200x1024xi32, #tpu.memory_space<hbm>> -> memref<7x1024xi32, #tpu.memory_space<hbm>>
      tpu.wait_dma2 semaphore(%run_scoped3A : memref<!tpu.dma_semaphore, #tpu.memory_space<semaphore_mem>>) src(%dma_wait3A_239 : memref<7x1024xi32, #tpu.memory_space<hbm>>) dst(%arg10 : memref<7x1024xi32, #tpu.memory_space<vmem>>)
      tpu.yield
    }) : () -> ()
    "tpu.region"() ({
      %run_scoped3A = tpu.sem_alloc : memref<!tpu.dma_semaphore, #tpu.memory_space<semaphore_mem>>
      %dma_start3A = arith.constant 0 : i32
      %dma_start3A_233 = tpu.memref_slice %arg4[%div3A_3, %dma_start3A] : memref<200x1024xi32, #tpu.memory_space<hbm>> -> memref<7x1024xi32, #tpu.memory_space<hbm>>
      %dma_start3A_234 = arith.constant 0 : i32
      %dma_start3A_235 = tpu.memref_slice %arg4[%div3A_3, %dma_start3A_234] : memref<200x1024xi32, #tpu.memory_space<hbm>> -> memref<7x1024xi32, #tpu.memory_space<hbm>>
      tpu.enqueue_dma source(%dma_start3A_235 : memref<7x1024xi32, #tpu.memory_space<hbm>>) target(%arg11 : memref<7x1024xi32, #tpu.memory_space<vmem>>) target_semaphore(%run_scoped3A : memref<!tpu.dma_semaphore, #tpu.memory_space<semaphore_mem>>)
      %dma_wait3A_236 = arith.constant 0 : i32
      %dma_wait3A_237 = tpu.memref_slice %arg4[%div3A_3, %dma_wait3A_236] : memref<200x1024xi32, #tpu.memory_space<hbm>> -> memref<7x1024xi32, #tpu.memory_space<hbm>>
      %dma_wait3A_238 = arith.constant 0 : i32
      %dma_wait3A_239 = tpu.memref_slice %arg4[%div3A_3, %dma_wait3A_238] : memref<200x1024xi32, #tpu.memory_space<hbm>> -> memref<7x1024xi32, #tpu.memory_space<hbm>>
      tpu.wait_dma2 semaphore(%run_scoped3A : memref<!tpu.dma_semaphore, #tpu.memory_space<semaphore_mem>>) src(%dma_wait3A_239 : memref<7x1024xi32, #tpu.memory_space<hbm>>) dst(%arg11 : memref<7x1024xi32, #tpu.memory_space<vmem>>)
      tpu.yield
    }) : () -> ()
    %scan3A = arith.constant 0 : i32
    %scan3A_4 = arith.constant 13 : i32
    %scan3A_5 = arith.addi %scan3A, %scan3A_4 : i32
    %scan3A_6 = arith.constant 1 : i32
    scf.for %scan3A_233 = %scan3A to %scan3A_5 step %scan3A_6  : i32 {
      %mul3A_234 = arith.constant 4 : i32
      %mul3A_235 = arith.muli %scan3A_233, %mul3A_234 : i32
      %add3A_236 = arith.constant 0 : i32
      %add3A_237 = arith.addi %add3A_236, %mul3A_235 : i32
      %add3A_238 = arith.constant 0 : i32
      %add3A_239 = arith.addi %add3A_237, %add3A_238 : i32
      %sub3A_240 = arith.constant 2 : i32
      %sub3A_241 = arith.subi %add3A_239, %sub3A_240 : i32
      %ge3A = arith.constant 0 : i32
      %ge3A_242 = arith.cmpi sge, %sub3A_241, %ge3A : i32
      %lt3A = arith.constant 50 : i32
      %lt3A_243 = arith.cmpi slt, %sub3A_241, %lt3A : i32
      %and3A = arith.andi %ge3A_242, %lt3A_243 : i1
      %convert_element_type3A = arith.extui %and3A : i1 to i32
      %cond3A = arith.constant 0 : i32
      %cond3A_244 = arith.cmpi ne, %convert_element_type3A, %cond3A : i32
      scf.if %cond3A_244 {
        %add3A_301 = arith.addi %mul3A_2, %sub3A_241 : i32
        %div3A_302 = arith.constant 8 : i32
        %div3A_303 = arith.divsi %add3A_301, %div3A_302 : i32
        %sub3A_304 = arith.subi %div3A_303, %div3A_3 : i32
        %rem3A_305 = arith.constant 8 : i32
        %rem3A_306 = arith.remsi %add3A_301, %rem3A_305 : i32
        %mul3A_307 = arith.constant 128 : i32
        %mul3A_308 = arith.muli %rem3A_306, %mul3A_307 : i32
        %add3A_309 = arith.addi %mul3A_2, %sub3A_241 : i32
        %div3A_310 = arith.constant 8 : i32
        %div3A_311 = arith.divsi %add3A_309, %div3A_310 : i32
        %sub3A_312 = arith.subi %div3A_311, %div3A_3 : i32
        %rem3A_313 = arith.constant 8 : i32
        %rem3A_314 = arith.remsi %add3A_309, %rem3A_313 : i32
        %mul3A_315 = arith.constant 128 : i32
        %mul3A_316 = arith.muli %rem3A_314, %mul3A_315 : i32
        %dma_wait3A_317 = arith.constant 2 : i32
        %dma_wait3A_318 = arith.constant 256 : i32
        %dma_wait3A_319 = arith.constant 0 : i32
        %dma_wait3A_320 = tpu.memref_slice %arg12[%dma_wait3A_318, %dma_wait3A_319] : memref<512x128xf32, #tpu.memory_space<vmem>> -> memref<128x128xf32, #tpu.memory_space<vmem>>
        %dma_wait3A_321 = tpu.memref_slice %arg9[%sub3A_304, %mul3A_308] : memref<7x1024xi32, #tpu.memory_space<vmem>> -> memref<1x128xi32, #tpu.memory_space<vmem>>
        %dma_wait3A_322 = tpu.memref_squeeze %dma_wait3A_321 : memref<1x128xi32, #tpu.memory_space<vmem>> -> memref<128xi32, #tpu.memory_space<vmem>>
        %dma_wait3A_323 = arith.constant 0 : i32
        %dma_wait3A_324 = arith.constant 0 : i32
        %dma_wait3A_325 = tpu.memref_slice %arg5[%dma_wait3A_323, %dma_wait3A_324] : memref<1000000x128xf32, #tpu.memory_space<hbm>> -> memref<1000000x128xf32, #tpu.memory_space<hbm>>
        %dma_wait3A_326 = tpu.memref_slice %arg15[%dma_wait3A_317] : memref<4x!tpu.dma_semaphore, #tpu.memory_space<semaphore_mem>> -> memref<1x!tpu.dma_semaphore, #tpu.memory_space<semaphore_mem>>
        %dma_wait3A_327 = tpu.memref_squeeze %dma_wait3A_326 : memref<1x!tpu.dma_semaphore, #tpu.memory_space<semaphore_mem>> -> memref<!tpu.dma_semaphore, #tpu.memory_space<semaphore_mem>>
        tpu.wait_indirect_dma semaphore(%dma_wait3A_327 : memref<!tpu.dma_semaphore, #tpu.memory_space<semaphore_mem>>) src(%dma_wait3A_325 : memref<1000000x128xf32, #tpu.memory_space<hbm>>) dst(%dma_wait3A_320 : memref<128x128xf32, #tpu.memory_space<vmem>>)
        %dma_wait3A_328 = arith.constant 2 : i32
        %dma_wait3A_329 = arith.constant 256 : i32
        %dma_wait3A_330 = arith.constant 0 : i32
        %dma_wait3A_331 = tpu.memref_slice %arg13[%dma_wait3A_329, %dma_wait3A_330] : memref<512x16xf32, #tpu.memory_space<vmem>> -> memref<128x16xf32, #tpu.memory_space<vmem>>
        %dma_wait3A_332 = tpu.memref_slice %arg10[%sub3A_304, %mul3A_308] : memref<7x1024xi32, #tpu.memory_space<vmem>> -> memref<1x128xi32, #tpu.memory_space<vmem>>
        %dma_wait3A_333 = tpu.memref_squeeze %dma_wait3A_332 : memref<1x128xi32, #tpu.memory_space<vmem>> -> memref<128xi32, #tpu.memory_space<vmem>>
        %dma_wait3A_334 = arith.constant 0 : i32
        %dma_wait3A_335 = arith.constant 0 : i32
        %dma_wait3A_336 = tpu.memref_slice %arg6[%dma_wait3A_334, %dma_wait3A_335] : memref<512x16xf32, #tpu.memory_space<hbm>> -> memref<512x16xf32, #tpu.memory_space<hbm>>
        %dma_wait3A_337 = tpu.memref_slice %arg15[%dma_wait3A_328] : memref<4x!tpu.dma_semaphore, #tpu.memory_space<semaphore_mem>> -> memref<1x!tpu.dma_semaphore, #tpu.memory_space<semaphore_mem>>
        %dma_wait3A_338 = tpu.memref_squeeze %dma_wait3A_337 : memref<1x!tpu.dma_semaphore, #tpu.memory_space<semaphore_mem>> -> memref<!tpu.dma_semaphore, #tpu.memory_space<semaphore_mem>>
        tpu.wait_indirect_dma semaphore(%dma_wait3A_338 : memref<!tpu.dma_semaphore, #tpu.memory_space<semaphore_mem>>) src(%dma_wait3A_336 : memref<512x16xf32, #tpu.memory_space<hbm>>) dst(%dma_wait3A_331 : memref<128x16xf32, #tpu.memory_space<vmem>>)
        %dma_wait3A_339 = arith.constant 2 : i32
        %dma_wait3A_340 = arith.constant 256 : i32
        %dma_wait3A_341 = arith.constant 0 : i32
        %dma_wait3A_342 = tpu.memref_slice %arg14[%dma_wait3A_340, %dma_wait3A_341] : memref<512x16xf32, #tpu.memory_space<vmem>> -> memref<128x16xf32, #tpu.memory_space<vmem>>
        %dma_wait3A_343 = tpu.memref_slice %arg11[%sub3A_304, %mul3A_308] : memref<7x1024xi32, #tpu.memory_space<vmem>> -> memref<1x128xi32, #tpu.memory_space<vmem>>
        %dma_wait3A_344 = tpu.memref_squeeze %dma_wait3A_343 : memref<1x128xi32, #tpu.memory_space<vmem>> -> memref<128xi32, #tpu.memory_space<vmem>>
        %dma_wait3A_345 = arith.constant 0 : i32
        %dma_wait3A_346 = arith.constant 0 : i32
        %dma_wait3A_347 = tpu.memref_slice %arg7[%dma_wait3A_345, %dma_wait3A_346] : memref<512x16xf32, #tpu.memory_space<hbm>> -> memref<512x16xf32, #tpu.memory_space<hbm>>
        %dma_wait3A_348 = tpu.memref_slice %arg15[%dma_wait3A_339] : memref<4x!tpu.dma_semaphore, #tpu.memory_space<semaphore_mem>> -> memref<1x!tpu.dma_semaphore, #tpu.memory_space<semaphore_mem>>
        %dma_wait3A_349 = tpu.memref_squeeze %dma_wait3A_348 : memref<1x!tpu.dma_semaphore, #tpu.memory_space<semaphore_mem>> -> memref<!tpu.dma_semaphore, #tpu.memory_space<semaphore_mem>>
        tpu.wait_indirect_dma semaphore(%dma_wait3A_349 : memref<!tpu.dma_semaphore, #tpu.memory_space<semaphore_mem>>) src(%dma_wait3A_347 : memref<512x16xf32, #tpu.memory_space<hbm>>) dst(%dma_wait3A_342 : memref<128x16xf32, #tpu.memory_space<vmem>>)
        %dma_start3A = arith.constant 0 : i32
        %dma_start3A_350 = arith.constant 2 : i32
        %dma_start3A_351 = arith.constant 256 : i32
        %dma_start3A_352 = arith.constant 0 : i32
        %dma_start3A_353 = tpu.memref_slice %arg12[%dma_start3A_351, %dma_start3A_352] : memref<512x128xf32, #tpu.memory_space<vmem>> -> memref<128x64xf32, #tpu.memory_space<vmem>>
        %dma_start3A_354 = arith.constant 0 : i32
        %dma_start3A_355 = tpu.memref_slice %arg8[%mul3A_316, %dma_start3A, %div3A_311, %dma_start3A_354] : memref<1024x1x200x96xf32, #tpu.memory_space<hbm>> -> memref<128x1x1x64xf32, #tpu.memory_space<hbm>>
        %dma_start3A_356 = tpu.memref_squeeze %dma_start3A_355 : memref<128x1x1x64xf32, #tpu.memory_space<hbm>> -> memref<128x64xf32, #tpu.memory_space<hbm>>
        %dma_start3A_357 = tpu.memref_slice %arg16[%dma_start3A_350] : memref<4x!tpu.dma_semaphore, #tpu.memory_space<semaphore_mem>> -> memref<1x!tpu.dma_semaphore, #tpu.memory_space<semaphore_mem>>
        %dma_start3A_358 = tpu.memref_squeeze %dma_start3A_357 : memref<1x!tpu.dma_semaphore, #tpu.memory_space<semaphore_mem>> -> memref<!tpu.dma_semaphore, #tpu.memory_space<semaphore_mem>>
        %dma_start3A_359 = arith.constant 0 : i32
        %dma_start3A_360 = tpu.memref_slice %arg8[%mul3A_316, %dma_start3A, %div3A_311, %dma_start3A_359] : memref<1024x1x200x96xf32, #tpu.memory_space<hbm>> -> memref<128x1x1x64xf32, #tpu.memory_space<hbm>>
        %dma_start3A_361 = tpu.memref_squeeze %dma_start3A_360 : memref<128x1x1x64xf32, #tpu.memory_space<hbm>> -> memref<128x64xf32, #tpu.memory_space<hbm>>
        %dma_start3A_362 = arith.constant 256 : i32
        %dma_start3A_363 = arith.constant 0 : i32
        %dma_start3A_364 = tpu.memref_slice %arg12[%dma_start3A_362, %dma_start3A_363] : memref<512x128xf32, #tpu.memory_space<vmem>> -> memref<128x64xf32, #tpu.memory_space<vmem>>
        tpu.enqueue_dma source(%dma_start3A_364 : memref<128x64xf32, #tpu.memory_space<vmem>>) target(%dma_start3A_361 : memref<128x64xf32, #tpu.memory_space<hbm>>) target_semaphore(%dma_start3A_358 : memref<!tpu.dma_semaphore, #tpu.memory_space<semaphore_mem>>)
        %dma_start3A_365 = arith.constant 0 : i32
        %dma_start3A_366 = arith.constant 2 : i32
        %dma_start3A_367 = arith.constant 256 : i32
        %dma_start3A_368 = arith.constant 0 : i32
        %dma_start3A_369 = tpu.memref_slice %arg13[%dma_start3A_367, %dma_start3A_368] : memref<512x16xf32, #tpu.memory_space<vmem>> -> memref<128x16xf32, #tpu.memory_space<vmem>>
        %dma_start3A_370 = arith.constant 64 : i32
        %dma_start3A_371 = tpu.memref_slice %arg8[%mul3A_316, %dma_start3A_365, %div3A_311, %dma_start3A_370] : memref<1024x1x200x96xf32, #tpu.memory_space<hbm>> -> memref<128x1x1x16xf32, #tpu.memory_space<hbm>>
        %dma_start3A_372 = tpu.memref_squeeze %dma_start3A_371 : memref<128x1x1x16xf32, #tpu.memory_space<hbm>> -> memref<128x16xf32, #tpu.memory_space<hbm>>
        %dma_start3A_373 = tpu.memref_slice %arg16[%dma_start3A_366] : memref<4x!tpu.dma_semaphore, #tpu.memory_space<semaphore_mem>> -> memref<1x!tpu.dma_semaphore, #tpu.memory_space<semaphore_mem>>
        %dma_start3A_374 = tpu.memref_squeeze %dma_start3A_373 : memref<1x!tpu.dma_semaphore, #tpu.memory_space<semaphore_mem>> -> memref<!tpu.dma_semaphore, #tpu.memory_space<semaphore_mem>>
        %dma_start3A_375 = arith.constant 64 : i32
        %dma_start3A_376 = tpu.memref_slice %arg8[%mul3A_316, %dma_start3A_365, %div3A_311, %dma_start3A_375] : memref<1024x1x200x96xf32, #tpu.memory_space<hbm>> -> memref<128x1x1x16xf32, #tpu.memory_space<hbm>>
        %dma_start3A_377 = tpu.memref_squeeze %dma_start3A_376 : memref<128x1x1x16xf32, #tpu.memory_space<hbm>> -> memref<128x16xf32, #tpu.memory_space<hbm>>
        %dma_start3A_378 = arith.constant 256 : i32
        %dma_start3A_379 = arith.constant 0 : i32
        %dma_start3A_380 = tpu.memref_slice %arg13[%dma_start3A_378, %dma_start3A_379] : memref<512x16xf32, #tpu.memory_space<vmem>> -> memref<128x16xf32, #tpu.memory_space<vmem>>
        tpu.enqueue_dma source(%dma_start3A_380 : memref<128x16xf32, #tpu.memory_space<vmem>>) target(%dma_start3A_377 : memref<128x16xf32, #tpu.memory_space<hbm>>) target_semaphore(%dma_start3A_374 : memref<!tpu.dma_semaphore, #tpu.memory_space<semaphore_mem>>)
        %dma_start3A_381 = arith.constant 0 : i32
        %dma_start3A_382 = arith.constant 2 : i32
        %dma_start3A_383 = arith.constant 256 : i32
        %dma_start3A_384 = arith.constant 0 : i32
        %dma_start3A_385 = tpu.memref_slice %arg14[%dma_start3A_383, %dma_start3A_384] : memref<512x16xf32, #tpu.memory_space<vmem>> -> memref<128x16xf32, #tpu.memory_space<vmem>>
        %dma_start3A_386 = arith.constant 80 : i32
        %dma_start3A_387 = tpu.memref_slice %arg8[%mul3A_316, %dma_start3A_381, %div3A_311, %dma_start3A_386] : memref<1024x1x200x96xf32, #tpu.memory_space<hbm>> -> memref<128x1x1x16xf32, #tpu.memory_space<hbm>>
        %dma_start3A_388 = tpu.memref_squeeze %dma_start3A_387 : memref<128x1x1x16xf32, #tpu.memory_space<hbm>> -> memref<128x16xf32, #tpu.memory_space<hbm>>
        %dma_start3A_389 = tpu.memref_slice %arg16[%dma_start3A_382] : memref<4x!tpu.dma_semaphore, #tpu.memory_space<semaphore_mem>> -> memref<1x!tpu.dma_semaphore, #tpu.memory_space<semaphore_mem>>
        %dma_start3A_390 = tpu.memref_squeeze %dma_start3A_389 : memref<1x!tpu.dma_semaphore, #tpu.memory_space<semaphore_mem>> -> memref<!tpu.dma_semaphore, #tpu.memory_space<semaphore_mem>>
        %dma_start3A_391 = arith.constant 80 : i32
        %dma_start3A_392 = tpu.memref_slice %arg8[%mul3A_316, %dma_start3A_381, %div3A_311, %dma_start3A_391] : memref<1024x1x200x96xf32, #tpu.memory_space<hbm>> -> memref<128x1x1x16xf32, #tpu.memory_space<hbm>>
        %dma_start3A_393 = tpu.memref_squeeze %dma_start3A_392 : memref<128x1x1x16xf32, #tpu.memory_space<hbm>> -> memref<128x16xf32, #tpu.memory_space<hbm>>
        %dma_start3A_394 = arith.constant 256 : i32
        %dma_start3A_395 = arith.constant 0 : i32
        %dma_start3A_396 = tpu.memref_slice %arg14[%dma_start3A_394, %dma_start3A_395] : memref<512x16xf32, #tpu.memory_space<vmem>> -> memref<128x16xf32, #tpu.memory_space<vmem>>
        tpu.enqueue_dma source(%dma_start3A_396 : memref<128x16xf32, #tpu.memory_space<vmem>>) target(%dma_start3A_393 : memref<128x16xf32, #tpu.memory_space<hbm>>) target_semaphore(%dma_start3A_390 : memref<!tpu.dma_semaphore, #tpu.memory_space<semaphore_mem>>)
      } else {
      }
      %lt3A_245 = arith.constant 50 : i32
      %lt3A_246 = arith.cmpi slt, %add3A_239, %lt3A_245 : i32
      %convert_element_type3A_247 = arith.extui %lt3A_246 : i1 to i32
      %cond3A_248 = arith.constant 0 : i32
      %cond3A_249 = arith.cmpi ne, %convert_element_type3A_247, %cond3A_248 : i32
      scf.if %cond3A_249 {
        %ge3A_301 = arith.constant 4 : i32
        %ge3A_302 = arith.cmpi sge, %add3A_239, %ge3A_301 : i32
        %convert_element_type3A_303 = arith.extui %ge3A_302 : i1 to i32
        %cond3A_304 = arith.constant 0 : i32
        %cond3A_305 = arith.cmpi ne, %convert_element_type3A_303, %cond3A_304 : i32
        scf.if %cond3A_305 {
          %sub3A_346 = arith.constant 4 : i32
          %sub3A_347 = arith.subi %add3A_239, %sub3A_346 : i32
          %add3A_348 = arith.addi %mul3A_2, %sub3A_347 : i32
          %div3A_349 = arith.constant 8 : i32
          %div3A_350 = arith.divsi %add3A_348, %div3A_349 : i32
          %sub3A_351 = arith.subi %div3A_350, %div3A_3 : i32
          %rem3A_352 = arith.constant 8 : i32
          %rem3A_353 = arith.remsi %add3A_348, %rem3A_352 : i32
          %mul3A_354 = arith.constant 128 : i32
          %mul3A_355 = arith.muli %rem3A_353, %mul3A_354 : i32
          %dma_wait3A_356 = arith.constant 0 : i32
          %dma_wait3A_357 = arith.constant 0 : i32
          %dma_wait3A_358 = arith.constant 0 : i32
          %dma_wait3A_359 = arith.constant 0 : i32
          %dma_wait3A_360 = tpu.memref_slice %arg12[%dma_wait3A_358, %dma_wait3A_359] : memref<512x128xf32, #tpu.memory_space<vmem>> -> memref<128x64xf32, #tpu.memory_space<vmem>>
          %dma_wait3A_361 = arith.constant 0 : i32
          %dma_wait3A_362 = tpu.memref_slice %arg8[%mul3A_355, %dma_wait3A_356, %div3A_350, %dma_wait3A_361] : memref<1024x1x200x96xf32, #tpu.memory_space<hbm>> -> memref<128x1x1x64xf32, #tpu.memory_space<hbm>>
          %dma_wait3A_363 = tpu.memref_squeeze %dma_wait3A_362 : memref<128x1x1x64xf32, #tpu.memory_space<hbm>> -> memref<128x64xf32, #tpu.memory_space<hbm>>
          %dma_wait3A_364 = tpu.memref_slice %arg16[%dma_wait3A_357] : memref<4x!tpu.dma_semaphore, #tpu.memory_space<semaphore_mem>> -> memref<1x!tpu.dma_semaphore, #tpu.memory_space<semaphore_mem>>
          %dma_wait3A_365 = tpu.memref_squeeze %dma_wait3A_364 : memref<1x!tpu.dma_semaphore, #tpu.memory_space<semaphore_mem>> -> memref<!tpu.dma_semaphore, #tpu.memory_space<semaphore_mem>>
          %dma_wait3A_366 = arith.constant 0 : i32
          %dma_wait3A_367 = tpu.memref_slice %arg8[%mul3A_355, %dma_wait3A_356, %div3A_350, %dma_wait3A_366] : memref<1024x1x200x96xf32, #tpu.memory_space<hbm>> -> memref<128x1x1x64xf32, #tpu.memory_space<hbm>>
          %dma_wait3A_368 = tpu.memref_squeeze %dma_wait3A_367 : memref<128x1x1x64xf32, #tpu.memory_space<hbm>> -> memref<128x64xf32, #tpu.memory_space<hbm>>
          %dma_wait3A_369 = arith.constant 0 : i32
          %dma_wait3A_370 = arith.constant 0 : i32
          %dma_wait3A_371 = tpu.memref_slice %arg12[%dma_wait3A_369, %dma_wait3A_370] : memref<512x128xf32, #tpu.memory_space<vmem>> -> memref<128x64xf32, #tpu.memory_space<vmem>>
          tpu.wait_dma2 semaphore(%dma_wait3A_365 : memref<!tpu.dma_semaphore, #tpu.memory_space<semaphore_mem>>) src(%dma_wait3A_371 : memref<128x64xf32, #tpu.memory_space<vmem>>) dst(%dma_wait3A_368 : memref<128x64xf32, #tpu.memory_space<hbm>>)
          %dma_wait3A_372 = arith.constant 0 : i32
          %dma_wait3A_373 = arith.constant 0 : i32
          %dma_wait3A_374 = arith.constant 0 : i32
          %dma_wait3A_375 = arith.constant 0 : i32
          %dma_wait3A_376 = tpu.memref_slice %arg13[%dma_wait3A_374, %dma_wait3A_375] : memref<512x16xf32, #tpu.memory_space<vmem>> -> memref<128x16xf32, #tpu.memory_space<vmem>>
          %dma_wait3A_377 = arith.constant 64 : i32
          %dma_wait3A_378 = tpu.memref_slice %arg8[%mul3A_355, %dma_wait3A_372, %div3A_350, %dma_wait3A_377] : memref<1024x1x200x96xf32, #tpu.memory_space<hbm>> -> memref<128x1x1x16xf32, #tpu.memory_space<hbm>>
          %dma_wait3A_379 = tpu.memref_squeeze %dma_wait3A_378 : memref<128x1x1x16xf32, #tpu.memory_space<hbm>> -> memref<128x16xf32, #tpu.memory_space<hbm>>
          %dma_wait3A_380 = tpu.memref_slice %arg16[%dma_wait3A_373] : memref<4x!tpu.dma_semaphore, #tpu.memory_space<semaphore_mem>> -> memref<1x!tpu.dma_semaphore, #tpu.memory_space<semaphore_mem>>
          %dma_wait3A_381 = tpu.memref_squeeze %dma_wait3A_380 : memref<1x!tpu.dma_semaphore, #tpu.memory_space<semaphore_mem>> -> memref<!tpu.dma_semaphore, #tpu.memory_space<semaphore_mem>>
          %dma_wait3A_382 = arith.constant 64 : i32
          %dma_wait3A_383 = tpu.memref_slice %arg8[%mul3A_355, %dma_wait3A_372, %div3A_350, %dma_wait3A_382] : memref<1024x1x200x96xf32, #tpu.memory_space<hbm>> -> memref<128x1x1x16xf32, #tpu.memory_space<hbm>>
          %dma_wait3A_384 = tpu.memref_squeeze %dma_wait3A_383 : memref<128x1x1x16xf32, #tpu.memory_space<hbm>> -> memref<128x16xf32, #tpu.memory_space<hbm>>
          %dma_wait3A_385 = arith.constant 0 : i32
          %dma_wait3A_386 = arith.constant 0 : i32
          %dma_wait3A_387 = tpu.memref_slice %arg13[%dma_wait3A_385, %dma_wait3A_386] : memref<512x16xf32, #tpu.memory_space<vmem>> -> memref<128x16xf32, #tpu.memory_space<vmem>>
          tpu.wait_dma2 semaphore(%dma_wait3A_381 : memref<!tpu.dma_semaphore, #tpu.memory_space<semaphore_mem>>) src(%dma_wait3A_387 : memref<128x16xf32, #tpu.memory_space<vmem>>) dst(%dma_wait3A_384 : memref<128x16xf32, #tpu.memory_space<hbm>>)
          %dma_wait3A_388 = arith.constant 0 : i32
          %dma_wait3A_389 = arith.constant 0 : i32
          %dma_wait3A_390 = arith.constant 0 : i32
          %dma_wait3A_391 = arith.constant 0 : i32
          %dma_wait3A_392 = tpu.memref_slice %arg14[%dma_wait3A_390, %dma_wait3A_391] : memref<512x16xf32, #tpu.memory_space<vmem>> -> memref<128x16xf32, #tpu.memory_space<vmem>>
          %dma_wait3A_393 = arith.constant 80 : i32
          %dma_wait3A_394 = tpu.memref_slice %arg8[%mul3A_355, %dma_wait3A_388, %div3A_350, %dma_wait3A_393] : memref<1024x1x200x96xf32, #tpu.memory_space<hbm>> -> memref<128x1x1x16xf32, #tpu.memory_space<hbm>>
          %dma_wait3A_395 = tpu.memref_squeeze %dma_wait3A_394 : memref<128x1x1x16xf32, #tpu.memory_space<hbm>> -> memref<128x16xf32, #tpu.memory_space<hbm>>
          %dma_wait3A_396 = tpu.memref_slice %arg16[%dma_wait3A_389] : memref<4x!tpu.dma_semaphore, #tpu.memory_space<semaphore_mem>> -> memref<1x!tpu.dma_semaphore, #tpu.memory_space<semaphore_mem>>
          %dma_wait3A_397 = tpu.memref_squeeze %dma_wait3A_396 : memref<1x!tpu.dma_semaphore, #tpu.memory_space<semaphore_mem>> -> memref<!tpu.dma_semaphore, #tpu.memory_space<semaphore_mem>>
          %dma_wait3A_398 = arith.constant 80 : i32
          %dma_wait3A_399 = tpu.memref_slice %arg8[%mul3A_355, %dma_wait3A_388, %div3A_350, %dma_wait3A_398] : memref<1024x1x200x96xf32, #tpu.memory_space<hbm>> -> memref<128x1x1x16xf32, #tpu.memory_space<hbm>>
          %dma_wait3A_400 = tpu.memref_squeeze %dma_wait3A_399 : memref<128x1x1x16xf32, #tpu.memory_space<hbm>> -> memref<128x16xf32, #tpu.memory_space<hbm>>
          %dma_wait3A_401 = arith.constant 0 : i32
          %dma_wait3A_402 = arith.constant 0 : i32
          %dma_wait3A_403 = tpu.memref_slice %arg14[%dma_wait3A_401, %dma_wait3A_402] : memref<512x16xf32, #tpu.memory_space<vmem>> -> memref<128x16xf32, #tpu.memory_space<vmem>>
          tpu.wait_dma2 semaphore(%dma_wait3A_397 : memref<!tpu.dma_semaphore, #tpu.memory_space<semaphore_mem>>) src(%dma_wait3A_403 : memref<128x16xf32, #tpu.memory_space<vmem>>) dst(%dma_wait3A_400 : memref<128x16xf32, #tpu.memory_space<hbm>>)
        } else {
        }
        %add3A_306 = arith.addi %mul3A_2, %add3A_239 : i32
        %div3A_307 = arith.constant 8 : i32
        %div3A_308 = arith.divsi %add3A_306, %div3A_307 : i32
        %sub3A_309 = arith.subi %div3A_308, %div3A_3 : i32
        %rem3A_310 = arith.constant 8 : i32
        %rem3A_311 = arith.remsi %add3A_306, %rem3A_310 : i32
        %mul3A_312 = arith.constant 128 : i32
        %mul3A_313 = arith.muli %rem3A_311, %mul3A_312 : i32
        %dma_start3A = arith.constant 0 : i32
        %dma_start3A_314 = arith.constant 0 : i32
        %dma_start3A_315 = arith.constant 0 : i32
        %dma_start3A_316 = tpu.memref_slice %arg12[%dma_start3A_314, %dma_start3A_315] : memref<512x128xf32, #tpu.memory_space<vmem>> -> memref<128x128xf32, #tpu.memory_space<vmem>>
        %dma_start3A_317 = tpu.memref_slice %arg9[%sub3A_309, %mul3A_313] : memref<7x1024xi32, #tpu.memory_space<vmem>> -> memref<1x128xi32, #tpu.memory_space<vmem>>
        %dma_start3A_318 = tpu.memref_squeeze %dma_start3A_317 : memref<1x128xi32, #tpu.memory_space<vmem>> -> memref<128xi32, #tpu.memory_space<vmem>>
        %dma_start3A_319 = arith.constant 0 : i32
        %dma_start3A_320 = arith.constant 0 : i32
        %dma_start3A_321 = tpu.memref_slice %arg5[%dma_start3A_319, %dma_start3A_320] : memref<1000000x128xf32, #tpu.memory_space<hbm>> -> memref<1000000x128xf32, #tpu.memory_space<hbm>>
        %dma_start3A_322 = tpu.memref_slice %arg15[%dma_start3A] : memref<4x!tpu.dma_semaphore, #tpu.memory_space<semaphore_mem>> -> memref<1x!tpu.dma_semaphore, #tpu.memory_space<semaphore_mem>>
        %dma_start3A_323 = tpu.memref_squeeze %dma_start3A_322 : memref<1x!tpu.dma_semaphore, #tpu.memory_space<semaphore_mem>> -> memref<!tpu.dma_semaphore, #tpu.memory_space<semaphore_mem>>
        tpu.enqueue_indirect_dma source(%dma_start3A_321 : memref<1000000x128xf32, #tpu.memory_space<hbm>>) target(%dma_start3A_316 : memref<128x128xf32, #tpu.memory_space<vmem>>) offsets(%dma_start3A_318 : memref<128xi32, #tpu.memory_space<vmem>>) semaphore(%dma_start3A_323 : memref<!tpu.dma_semaphore, #tpu.memory_space<semaphore_mem>>)
        %dma_start3A_324 = arith.constant 0 : i32
        %dma_start3A_325 = arith.constant 0 : i32
        %dma_start3A_326 = arith.constant 0 : i32
        %dma_start3A_327 = tpu.memref_slice %arg13[%dma_start3A_325, %dma_start3A_326] : memref<512x16xf32, #tpu.memory_space<vmem>> -> memref<128x16xf32, #tpu.memory_space<vmem>>
        %dma_start3A_328 = tpu.memref_slice %arg10[%sub3A_309, %mul3A_313] : memref<7x1024xi32, #tpu.memory_space<vmem>> -> memref<1x128xi32, #tpu.memory_space<vmem>>
        %dma_start3A_329 = tpu.memref_squeeze %dma_start3A_328 : memref<1x128xi32, #tpu.memory_space<vmem>> -> memref<128xi32, #tpu.memory_space<vmem>>
        %dma_start3A_330 = arith.constant 0 : i32
        %dma_start3A_331 = arith.constant 0 : i32
        %dma_start3A_332 = tpu.memref_slice %arg6[%dma_start3A_330, %dma_start3A_331] : memref<512x16xf32, #tpu.memory_space<hbm>> -> memref<512x16xf32, #tpu.memory_space<hbm>>
        %dma_start3A_333 = tpu.memref_slice %arg15[%dma_start3A_324] : memref<4x!tpu.dma_semaphore, #tpu.memory_space<semaphore_mem>> -> memref<1x!tpu.dma_semaphore, #tpu.memory_space<semaphore_mem>>
        %dma_start3A_334 = tpu.memref_squeeze %dma_start3A_333 : memref<1x!tpu.dma_semaphore, #tpu.memory_space<semaphore_mem>> -> memref<!tpu.dma_semaphore, #tpu.memory_space<semaphore_mem>>
        tpu.enqueue_indirect_dma source(%dma_start3A_332 : memref<512x16xf32, #tpu.memory_space<hbm>>) target(%dma_start3A_327 : memref<128x16xf32, #tpu.memory_space<vmem>>) offsets(%dma_start3A_329 : memref<128xi32, #tpu.memory_space<vmem>>) semaphore(%dma_start3A_334 : memref<!tpu.dma_semaphore, #tpu.memory_space<semaphore_mem>>)
        %dma_start3A_335 = arith.constant 0 : i32
        %dma_start3A_336 = arith.constant 0 : i32
        %dma_start3A_337 = arith.constant 0 : i32
        %dma_start3A_338 = tpu.memref_slice %arg14[%dma_start3A_336, %dma_start3A_337] : memref<512x16xf32, #tpu.memory_space<vmem>> -> memref<128x16xf32, #tpu.memory_space<vmem>>
        %dma_start3A_339 = tpu.memref_slice %arg11[%sub3A_309, %mul3A_313] : memref<7x1024xi32, #tpu.memory_space<vmem>> -> memref<1x128xi32, #tpu.memory_space<vmem>>
        %dma_start3A_340 = tpu.memref_squeeze %dma_start3A_339 : memref<1x128xi32, #tpu.memory_space<vmem>> -> memref<128xi32, #tpu.memory_space<vmem>>
        %dma_start3A_341 = arith.constant 0 : i32
        %dma_start3A_342 = arith.constant 0 : i32
        %dma_start3A_343 = tpu.memref_slice %arg7[%dma_start3A_341, %dma_start3A_342] : memref<512x16xf32, #tpu.memory_space<hbm>> -> memref<512x16xf32, #tpu.memory_space<hbm>>
        %dma_start3A_344 = tpu.memref_slice %arg15[%dma_start3A_335] : memref<4x!tpu.dma_semaphore, #tpu.memory_space<semaphore_mem>> -> memref<1x!tpu.dma_semaphore, #tpu.memory_space<semaphore_mem>>
        %dma_start3A_345 = tpu.memref_squeeze %dma_start3A_344 : memref<1x!tpu.dma_semaphore, #tpu.memory_space<semaphore_mem>> -> memref<!tpu.dma_semaphore, #tpu.memory_space<semaphore_mem>>
        tpu.enqueue_indirect_dma source(%dma_start3A_343 : memref<512x16xf32, #tpu.memory_space<hbm>>) target(%dma_start3A_338 : memref<128x16xf32, #tpu.memory_space<vmem>>) offsets(%dma_start3A_340 : memref<128xi32, #tpu.memory_space<vmem>>) semaphore(%dma_start3A_345 : memref<!tpu.dma_semaphore, #tpu.memory_space<semaphore_mem>>)
      } else {
      }
      %add3A_250 = arith.constant 1 : i32
      %add3A_251 = arith.addi %add3A_237, %add3A_250 : i32
      %sub3A_252 = arith.constant 2 : i32
      %sub3A_253 = arith.subi %add3A_251, %sub3A_252 : i32
      %ge3A_254 = arith.constant 0 : i32
      %ge3A_255 = arith.cmpi sge, %sub3A_253, %ge3A_254 : i32
      %lt3A_256 = arith.constant 50 : i32
      %lt3A_257 = arith.cmpi slt, %sub3A_253, %lt3A_256 : i32
      %and3A_258 = arith.andi %ge3A_255, %lt3A_257 : i1
      %convert_element_type3A_259 = arith.extui %and3A_258 : i1 to i32
      %cond3A_260 = arith.constant 0 : i32
      %cond3A_261 = arith.cmpi ne, %convert_element_type3A_259, %cond3A_260 : i32
      scf.if %cond3A_261 {
        %add3A_301 = arith.addi %mul3A_2, %sub3A_253 : i32
        %div3A_302 = arith.constant 8 : i32
        %div3A_303 = arith.divsi %add3A_301, %div3A_302 : i32
        %sub3A_304 = arith.subi %div3A_303, %div3A_3 : i32
        %rem3A_305 = arith.constant 8 : i32
        %rem3A_306 = arith.remsi %add3A_301, %rem3A_305 : i32
        %mul3A_307 = arith.constant 128 : i32
        %mul3A_308 = arith.muli %rem3A_306, %mul3A_307 : i32
        %add3A_309 = arith.addi %mul3A_2, %sub3A_253 : i32
        %div3A_310 = arith.constant 8 : i32
        %div3A_311 = arith.divsi %add3A_309, %div3A_310 : i32
        %sub3A_312 = arith.subi %div3A_311, %div3A_3 : i32
        %rem3A_313 = arith.constant 8 : i32
        %rem3A_314 = arith.remsi %add3A_309, %rem3A_313 : i32
        %mul3A_315 = arith.constant 128 : i32
        %mul3A_316 = arith.muli %rem3A_314, %mul3A_315 : i32
        %dma_wait3A_317 = arith.constant 3 : i32
        %dma_wait3A_318 = arith.constant 384 : i32
        %dma_wait3A_319 = arith.constant 0 : i32
        %dma_wait3A_320 = tpu.memref_slice %arg12[%dma_wait3A_318, %dma_wait3A_319] : memref<512x128xf32, #tpu.memory_space<vmem>> -> memref<128x128xf32, #tpu.memory_space<vmem>>
        %dma_wait3A_321 = tpu.memref_slice %arg9[%sub3A_304, %mul3A_308] : memref<7x1024xi32, #tpu.memory_space<vmem>> -> memref<1x128xi32, #tpu.memory_space<vmem>>
        %dma_wait3A_322 = tpu.memref_squeeze %dma_wait3A_321 : memref<1x128xi32, #tpu.memory_space<vmem>> -> memref<128xi32, #tpu.memory_space<vmem>>
        %dma_wait3A_323 = arith.constant 0 : i32
        %dma_wait3A_324 = arith.constant 0 : i32
        %dma_wait3A_325 = tpu.memref_slice %arg5[%dma_wait3A_323, %dma_wait3A_324] : memref<1000000x128xf32, #tpu.memory_space<hbm>> -> memref<1000000x128xf32, #tpu.memory_space<hbm>>
        %dma_wait3A_326 = tpu.memref_slice %arg15[%dma_wait3A_317] : memref<4x!tpu.dma_semaphore, #tpu.memory_space<semaphore_mem>> -> memref<1x!tpu.dma_semaphore, #tpu.memory_space<semaphore_mem>>
        %dma_wait3A_327 = tpu.memref_squeeze %dma_wait3A_326 : memref<1x!tpu.dma_semaphore, #tpu.memory_space<semaphore_mem>> -> memref<!tpu.dma_semaphore, #tpu.memory_space<semaphore_mem>>
        tpu.wait_indirect_dma semaphore(%dma_wait3A_327 : memref<!tpu.dma_semaphore, #tpu.memory_space<semaphore_mem>>) src(%dma_wait3A_325 : memref<1000000x128xf32, #tpu.memory_space<hbm>>) dst(%dma_wait3A_320 : memref<128x128xf32, #tpu.memory_space<vmem>>)
        %dma_wait3A_328 = arith.constant 3 : i32
        %dma_wait3A_329 = arith.constant 384 : i32
        %dma_wait3A_330 = arith.constant 0 : i32
        %dma_wait3A_331 = tpu.memref_slice %arg13[%dma_wait3A_329, %dma_wait3A_330] : memref<512x16xf32, #tpu.memory_space<vmem>> -> memref<128x16xf32, #tpu.memory_space<vmem>>
        %dma_wait3A_332 = tpu.memref_slice %arg10[%sub3A_304, %mul3A_308] : memref<7x1024xi32, #tpu.memory_space<vmem>> -> memref<1x128xi32, #tpu.memory_space<vmem>>
        %dma_wait3A_333 = tpu.memref_squeeze %dma_wait3A_332 : memref<1x128xi32, #tpu.memory_space<vmem>> -> memref<128xi32, #tpu.memory_space<vmem>>
        %dma_wait3A_334 = arith.constant 0 : i32
        %dma_wait3A_335 = arith.constant 0 : i32
        %dma_wait3A_336 = tpu.memref_slice %arg6[%dma_wait3A_334, %dma_wait3A_335] : memref<512x16xf32, #tpu.memory_space<hbm>> -> memref<512x16xf32, #tpu.memory_space<hbm>>
        %dma_wait3A_337 = tpu.memref_slice %arg15[%dma_wait3A_328] : memref<4x!tpu.dma_semaphore, #tpu.memory_space<semaphore_mem>> -> memref<1x!tpu.dma_semaphore, #tpu.memory_space<semaphore_mem>>
        %dma_wait3A_338 = tpu.memref_squeeze %dma_wait3A_337 : memref<1x!tpu.dma_semaphore, #tpu.memory_space<semaphore_mem>> -> memref<!tpu.dma_semaphore, #tpu.memory_space<semaphore_mem>>
        tpu.wait_indirect_dma semaphore(%dma_wait3A_338 : memref<!tpu.dma_semaphore, #tpu.memory_space<semaphore_mem>>) src(%dma_wait3A_336 : memref<512x16xf32, #tpu.memory_space<hbm>>) dst(%dma_wait3A_331 : memref<128x16xf32, #tpu.memory_space<vmem>>)
        %dma_wait3A_339 = arith.constant 3 : i32
        %dma_wait3A_340 = arith.constant 384 : i32
        %dma_wait3A_341 = arith.constant 0 : i32
        %dma_wait3A_342 = tpu.memref_slice %arg14[%dma_wait3A_340, %dma_wait3A_341] : memref<512x16xf32, #tpu.memory_space<vmem>> -> memref<128x16xf32, #tpu.memory_space<vmem>>
        %dma_wait3A_343 = tpu.memref_slice %arg11[%sub3A_304, %mul3A_308] : memref<7x1024xi32, #tpu.memory_space<vmem>> -> memref<1x128xi32, #tpu.memory_space<vmem>>
        %dma_wait3A_344 = tpu.memref_squeeze %dma_wait3A_343 : memref<1x128xi32, #tpu.memory_space<vmem>> -> memref<128xi32, #tpu.memory_space<vmem>>
        %dma_wait3A_345 = arith.constant 0 : i32
        %dma_wait3A_346 = arith.constant 0 : i32
        %dma_wait3A_347 = tpu.memref_slice %arg7[%dma_wait3A_345, %dma_wait3A_346] : memref<512x16xf32, #tpu.memory_space<hbm>> -> memref<512x16xf32, #tpu.memory_space<hbm>>
        %dma_wait3A_348 = tpu.memref_slice %arg15[%dma_wait3A_339] : memref<4x!tpu.dma_semaphore, #tpu.memory_space<semaphore_mem>> -> memref<1x!tpu.dma_semaphore, #tpu.memory_space<semaphore_mem>>
        %dma_wait3A_349 = tpu.memref_squeeze %dma_wait3A_348 : memref<1x!tpu.dma_semaphore, #tpu.memory_space<semaphore_mem>> -> memref<!tpu.dma_semaphore, #tpu.memory_space<semaphore_mem>>
        tpu.wait_indirect_dma semaphore(%dma_wait3A_349 : memref<!tpu.dma_semaphore, #tpu.memory_space<semaphore_mem>>) src(%dma_wait3A_347 : memref<512x16xf32, #tpu.memory_space<hbm>>) dst(%dma_wait3A_342 : memref<128x16xf32, #tpu.memory_space<vmem>>)
        %dma_start3A = arith.constant 0 : i32
        %dma_start3A_350 = arith.constant 3 : i32
        %dma_start3A_351 = arith.constant 384 : i32
        %dma_start3A_352 = arith.constant 0 : i32
        %dma_start3A_353 = tpu.memref_slice %arg12[%dma_start3A_351, %dma_start3A_352] : memref<512x128xf32, #tpu.memory_space<vmem>> -> memref<128x64xf32, #tpu.memory_space<vmem>>
        %dma_start3A_354 = arith.constant 0 : i32
        %dma_start3A_355 = tpu.memref_slice %arg8[%mul3A_316, %dma_start3A, %div3A_311, %dma_start3A_354] : memref<1024x1x200x96xf32, #tpu.memory_space<hbm>> -> memref<128x1x1x64xf32, #tpu.memory_space<hbm>>
        %dma_start3A_356 = tpu.memref_squeeze %dma_start3A_355 : memref<128x1x1x64xf32, #tpu.memory_space<hbm>> -> memref<128x64xf32, #tpu.memory_space<hbm>>
        %dma_start3A_357 = tpu.memref_slice %arg16[%dma_start3A_350] : memref<4x!tpu.dma_semaphore, #tpu.memory_space<semaphore_mem>> -> memref<1x!tpu.dma_semaphore, #tpu.memory_space<semaphore_mem>>
        %dma_start3A_358 = tpu.memref_squeeze %dma_start3A_357 : memref<1x!tpu.dma_semaphore, #tpu.memory_space<semaphore_mem>> -> memref<!tpu.dma_semaphore, #tpu.memory_space<semaphore_mem>>
        %dma_start3A_359 = arith.constant 0 : i32
        %dma_start3A_360 = tpu.memref_slice %arg8[%mul3A_316, %dma_start3A, %div3A_311, %dma_start3A_359] : memref<1024x1x200x96xf32, #tpu.memory_space<hbm>> -> memref<128x1x1x64xf32, #tpu.memory_space<hbm>>
        %dma_start3A_361 = tpu.memref_squeeze %dma_start3A_360 : memref<128x1x1x64xf32, #tpu.memory_space<hbm>> -> memref<128x64xf32, #tpu.memory_space<hbm>>
        %dma_start3A_362 = arith.constant 384 : i32
        %dma_start3A_363 = arith.constant 0 : i32
        %dma_start3A_364 = tpu.memref_slice %arg12[%dma_start3A_362, %dma_start3A_363] : memref<512x128xf32, #tpu.memory_space<vmem>> -> memref<128x64xf32, #tpu.memory_space<vmem>>
        tpu.enqueue_dma source(%dma_start3A_364 : memref<128x64xf32, #tpu.memory_space<vmem>>) target(%dma_start3A_361 : memref<128x64xf32, #tpu.memory_space<hbm>>) target_semaphore(%dma_start3A_358 : memref<!tpu.dma_semaphore, #tpu.memory_space<semaphore_mem>>)
        %dma_start3A_365 = arith.constant 0 : i32
        %dma_start3A_366 = arith.constant 3 : i32
        %dma_start3A_367 = arith.constant 384 : i32
        %dma_start3A_368 = arith.constant 0 : i32
        %dma_start3A_369 = tpu.memref_slice %arg13[%dma_start3A_367, %dma_start3A_368] : memref<512x16xf32, #tpu.memory_space<vmem>> -> memref<128x16xf32, #tpu.memory_space<vmem>>
        %dma_start3A_370 = arith.constant 64 : i32
        %dma_start3A_371 = tpu.memref_slice %arg8[%mul3A_316, %dma_start3A_365, %div3A_311, %dma_start3A_370] : memref<1024x1x200x96xf32, #tpu.memory_space<hbm>> -> memref<128x1x1x16xf32, #tpu.memory_space<hbm>>
        %dma_start3A_372 = tpu.memref_squeeze %dma_start3A_371 : memref<128x1x1x16xf32, #tpu.memory_space<hbm>> -> memref<128x16xf32, #tpu.memory_space<hbm>>
        %dma_start3A_373 = tpu.memref_slice %arg16[%dma_start3A_366] : memref<4x!tpu.dma_semaphore, #tpu.memory_space<semaphore_mem>> -> memref<1x!tpu.dma_semaphore, #tpu.memory_space<semaphore_mem>>
        %dma_start3A_374 = tpu.memref_squeeze %dma_start3A_373 : memref<1x!tpu.dma_semaphore, #tpu.memory_space<semaphore_mem>> -> memref<!tpu.dma_semaphore, #tpu.memory_space<semaphore_mem>>
        %dma_start3A_375 = arith.constant 64 : i32
        %dma_start3A_376 = tpu.memref_slice %arg8[%mul3A_316, %dma_start3A_365, %div3A_311, %dma_start3A_375] : memref<1024x1x200x96xf32, #tpu.memory_space<hbm>> -> memref<128x1x1x16xf32, #tpu.memory_space<hbm>>
        %dma_start3A_377 = tpu.memref_squeeze %dma_start3A_376 : memref<128x1x1x16xf32, #tpu.memory_space<hbm>> -> memref<128x16xf32, #tpu.memory_space<hbm>>
        %dma_start3A_378 = arith.constant 384 : i32
        %dma_start3A_379 = arith.constant 0 : i32
        %dma_start3A_380 = tpu.memref_slice %arg13[%dma_start3A_378, %dma_start3A_379] : memref<512x16xf32, #tpu.memory_space<vmem>> -> memref<128x16xf32, #tpu.memory_space<vmem>>
        tpu.enqueue_dma source(%dma_start3A_380 : memref<128x16xf32, #tpu.memory_space<vmem>>) target(%dma_start3A_377 : memref<128x16xf32, #tpu.memory_space<hbm>>) target_semaphore(%dma_start3A_374 : memref<!tpu.dma_semaphore, #tpu.memory_space<semaphore_mem>>)
        %dma_start3A_381 = arith.constant 0 : i32
        %dma_start3A_382 = arith.constant 3 : i32
        %dma_start3A_383 = arith.constant 384 : i32
        %dma_start3A_384 = arith.constant 0 : i32
        %dma_start3A_385 = tpu.memref_slice %arg14[%dma_start3A_383, %dma_start3A_384] : memref<512x16xf32, #tpu.memory_space<vmem>> -> memref<128x16xf32, #tpu.memory_space<vmem>>
        %dma_start3A_386 = arith.constant 80 : i32
        %dma_start3A_387 = tpu.memref_slice %arg8[%mul3A_316, %dma_start3A_381, %div3A_311, %dma_start3A_386] : memref<1024x1x200x96xf32, #tpu.memory_space<hbm>> -> memref<128x1x1x16xf32, #tpu.memory_space<hbm>>
        %dma_start3A_388 = tpu.memref_squeeze %dma_start3A_387 : memref<128x1x1x16xf32, #tpu.memory_space<hbm>> -> memref<128x16xf32, #tpu.memory_space<hbm>>
        %dma_start3A_389 = tpu.memref_slice %arg16[%dma_start3A_382] : memref<4x!tpu.dma_semaphore, #tpu.memory_space<semaphore_mem>> -> memref<1x!tpu.dma_semaphore, #tpu.memory_space<semaphore_mem>>
        %dma_start3A_390 = tpu.memref_squeeze %dma_start3A_389 : memref<1x!tpu.dma_semaphore, #tpu.memory_space<semaphore_mem>> -> memref<!tpu.dma_semaphore, #tpu.memory_space<semaphore_mem>>
        %dma_start3A_391 = arith.constant 80 : i32
        %dma_start3A_392 = tpu.memref_slice %arg8[%mul3A_316, %dma_start3A_381, %div3A_311, %dma_start3A_391] : memref<1024x1x200x96xf32, #tpu.memory_space<hbm>> -> memref<128x1x1x16xf32, #tpu.memory_space<hbm>>
        %dma_start3A_393 = tpu.memref_squeeze %dma_start3A_392 : memref<128x1x1x16xf32, #tpu.memory_space<hbm>> -> memref<128x16xf32, #tpu.memory_space<hbm>>
        %dma_start3A_394 = arith.constant 384 : i32
        %dma_start3A_395 = arith.constant 0 : i32
        %dma_start3A_396 = tpu.memref_slice %arg14[%dma_start3A_394, %dma_start3A_395] : memref<512x16xf32, #tpu.memory_space<vmem>> -> memref<128x16xf32, #tpu.memory_space<vmem>>
        tpu.enqueue_dma source(%dma_start3A_396 : memref<128x16xf32, #tpu.memory_space<vmem>>) target(%dma_start3A_393 : memref<128x16xf32, #tpu.memory_space<hbm>>) target_semaphore(%dma_start3A_390 : memref<!tpu.dma_semaphore, #tpu.memory_space<semaphore_mem>>)
      } else {
      }
      %lt3A_262 = arith.constant 50 : i32
      %lt3A_263 = arith.cmpi slt, %add3A_251, %lt3A_262 : i32
      %convert_element_type3A_264 = arith.extui %lt3A_263 : i1 to i32
      %cond3A_265 = arith.constant 0 : i32
      %cond3A_266 = arith.cmpi ne, %convert_element_type3A_264, %cond3A_265 : i32
      scf.if %cond3A_266 {
        %ge3A_301 = arith.constant 4 : i32
        %ge3A_302 = arith.cmpi sge, %add3A_251, %ge3A_301 : i32
        %convert_element_type3A_303 = arith.extui %ge3A_302 : i1 to i32
        %cond3A_304 = arith.constant 0 : i32
        %cond3A_305 = arith.cmpi ne, %convert_element_type3A_303, %cond3A_304 : i32
        scf.if %cond3A_305 {
          %sub3A_346 = arith.constant 4 : i32
          %sub3A_347 = arith.subi %add3A_251, %sub3A_346 : i32
          %add3A_348 = arith.addi %mul3A_2, %sub3A_347 : i32
          %div3A_349 = arith.constant 8 : i32
          %div3A_350 = arith.divsi %add3A_348, %div3A_349 : i32
          %sub3A_351 = arith.subi %div3A_350, %div3A_3 : i32
          %rem3A_352 = arith.constant 8 : i32
          %rem3A_353 = arith.remsi %add3A_348, %rem3A_352 : i32
          %mul3A_354 = arith.constant 128 : i32
          %mul3A_355 = arith.muli %rem3A_353, %mul3A_354 : i32
          %dma_wait3A_356 = arith.constant 0 : i32
          %dma_wait3A_357 = arith.constant 1 : i32
          %dma_wait3A_358 = arith.constant 128 : i32
          %dma_wait3A_359 = arith.constant 0 : i32
          %dma_wait3A_360 = tpu.memref_slice %arg12[%dma_wait3A_358, %dma_wait3A_359] : memref<512x128xf32, #tpu.memory_space<vmem>> -> memref<128x64xf32, #tpu.memory_space<vmem>>
          %dma_wait3A_361 = arith.constant 0 : i32
          %dma_wait3A_362 = tpu.memref_slice %arg8[%mul3A_355, %dma_wait3A_356, %div3A_350, %dma_wait3A_361] : memref<1024x1x200x96xf32, #tpu.memory_space<hbm>> -> memref<128x1x1x64xf32, #tpu.memory_space<hbm>>
          %dma_wait3A_363 = tpu.memref_squeeze %dma_wait3A_362 : memref<128x1x1x64xf32, #tpu.memory_space<hbm>> -> memref<128x64xf32, #tpu.memory_space<hbm>>
          %dma_wait3A_364 = tpu.memref_slice %arg16[%dma_wait3A_357] : memref<4x!tpu.dma_semaphore, #tpu.memory_space<semaphore_mem>> -> memref<1x!tpu.dma_semaphore, #tpu.memory_space<semaphore_mem>>
          %dma_wait3A_365 = tpu.memref_squeeze %dma_wait3A_364 : memref<1x!tpu.dma_semaphore, #tpu.memory_space<semaphore_mem>> -> memref<!tpu.dma_semaphore, #tpu.memory_space<semaphore_mem>>
          %dma_wait3A_366 = arith.constant 0 : i32
          %dma_wait3A_367 = tpu.memref_slice %arg8[%mul3A_355, %dma_wait3A_356, %div3A_350, %dma_wait3A_366] : memref<1024x1x200x96xf32, #tpu.memory_space<hbm>> -> memref<128x1x1x64xf32, #tpu.memory_space<hbm>>
          %dma_wait3A_368 = tpu.memref_squeeze %dma_wait3A_367 : memref<128x1x1x64xf32, #tpu.memory_space<hbm>> -> memref<128x64xf32, #tpu.memory_space<hbm>>
          %dma_wait3A_369 = arith.constant 128 : i32
          %dma_wait3A_370 = arith.constant 0 : i32
          %dma_wait3A_371 = tpu.memref_slice %arg12[%dma_wait3A_369, %dma_wait3A_370] : memref<512x128xf32, #tpu.memory_space<vmem>> -> memref<128x64xf32, #tpu.memory_space<vmem>>
          tpu.wait_dma2 semaphore(%dma_wait3A_365 : memref<!tpu.dma_semaphore, #tpu.memory_space<semaphore_mem>>) src(%dma_wait3A_371 : memref<128x64xf32, #tpu.memory_space<vmem>>) dst(%dma_wait3A_368 : memref<128x64xf32, #tpu.memory_space<hbm>>)
          %dma_wait3A_372 = arith.constant 0 : i32
          %dma_wait3A_373 = arith.constant 1 : i32
          %dma_wait3A_374 = arith.constant 128 : i32
          %dma_wait3A_375 = arith.constant 0 : i32
          %dma_wait3A_376 = tpu.memref_slice %arg13[%dma_wait3A_374, %dma_wait3A_375] : memref<512x16xf32, #tpu.memory_space<vmem>> -> memref<128x16xf32, #tpu.memory_space<vmem>>
          %dma_wait3A_377 = arith.constant 64 : i32
          %dma_wait3A_378 = tpu.memref_slice %arg8[%mul3A_355, %dma_wait3A_372, %div3A_350, %dma_wait3A_377] : memref<1024x1x200x96xf32, #tpu.memory_space<hbm>> -> memref<128x1x1x16xf32, #tpu.memory_space<hbm>>
          %dma_wait3A_379 = tpu.memref_squeeze %dma_wait3A_378 : memref<128x1x1x16xf32, #tpu.memory_space<hbm>> -> memref<128x16xf32, #tpu.memory_space<hbm>>
          %dma_wait3A_380 = tpu.memref_slice %arg16[%dma_wait3A_373] : memref<4x!tpu.dma_semaphore, #tpu.memory_space<semaphore_mem>> -> memref<1x!tpu.dma_semaphore, #tpu.memory_space<semaphore_mem>>
          %dma_wait3A_381 = tpu.memref_squeeze %dma_wait3A_380 : memref<1x!tpu.dma_semaphore, #tpu.memory_space<semaphore_mem>> -> memref<!tpu.dma_semaphore, #tpu.memory_space<semaphore_mem>>
          %dma_wait3A_382 = arith.constant 64 : i32
          %dma_wait3A_383 = tpu.memref_slice %arg8[%mul3A_355, %dma_wait3A_372, %div3A_350, %dma_wait3A_382] : memref<1024x1x200x96xf32, #tpu.memory_space<hbm>> -> memref<128x1x1x16xf32, #tpu.memory_space<hbm>>
          %dma_wait3A_384 = tpu.memref_squeeze %dma_wait3A_383 : memref<128x1x1x16xf32, #tpu.memory_space<hbm>> -> memref<128x16xf32, #tpu.memory_space<hbm>>
          %dma_wait3A_385 = arith.constant 128 : i32
          %dma_wait3A_386 = arith.constant 0 : i32
          %dma_wait3A_387 = tpu.memref_slice %arg13[%dma_wait3A_385, %dma_wait3A_386] : memref<512x16xf32, #tpu.memory_space<vmem>> -> memref<128x16xf32, #tpu.memory_space<vmem>>
          tpu.wait_dma2 semaphore(%dma_wait3A_381 : memref<!tpu.dma_semaphore, #tpu.memory_space<semaphore_mem>>) src(%dma_wait3A_387 : memref<128x16xf32, #tpu.memory_space<vmem>>) dst(%dma_wait3A_384 : memref<128x16xf32, #tpu.memory_space<hbm>>)
          %dma_wait3A_388 = arith.constant 0 : i32
          %dma_wait3A_389 = arith.constant 1 : i32
          %dma_wait3A_390 = arith.constant 128 : i32
          %dma_wait3A_391 = arith.constant 0 : i32
          %dma_wait3A_392 = tpu.memref_slice %arg14[%dma_wait3A_390, %dma_wait3A_391] : memref<512x16xf32, #tpu.memory_space<vmem>> -> memref<128x16xf32, #tpu.memory_space<vmem>>
          %dma_wait3A_393 = arith.constant 80 : i32
          %dma_wait3A_394 = tpu.memref_slice %arg8[%mul3A_355, %dma_wait3A_388, %div3A_350, %dma_wait3A_393] : memref<1024x1x200x96xf32, #tpu.memory_space<hbm>> -> memref<128x1x1x16xf32, #tpu.memory_space<hbm>>
          %dma_wait3A_395 = tpu.memref_squeeze %dma_wait3A_394 : memref<128x1x1x16xf32, #tpu.memory_space<hbm>> -> memref<128x16xf32, #tpu.memory_space<hbm>>
          %dma_wait3A_396 = tpu.memref_slice %arg16[%dma_wait3A_389] : memref<4x!tpu.dma_semaphore, #tpu.memory_space<semaphore_mem>> -> memref<1x!tpu.dma_semaphore, #tpu.memory_space<semaphore_mem>>
          %dma_wait3A_397 = tpu.memref_squeeze %dma_wait3A_396 : memref<1x!tpu.dma_semaphore, #tpu.memory_space<semaphore_mem>> -> memref<!tpu.dma_semaphore, #tpu.memory_space<semaphore_mem>>
          %dma_wait3A_398 = arith.constant 80 : i32
          %dma_wait3A_399 = tpu.memref_slice %arg8[%mul3A_355, %dma_wait3A_388, %div3A_350, %dma_wait3A_398] : memref<1024x1x200x96xf32, #tpu.memory_space<hbm>> -> memref<128x1x1x16xf32, #tpu.memory_space<hbm>>
          %dma_wait3A_400 = tpu.memref_squeeze %dma_wait3A_399 : memref<128x1x1x16xf32, #tpu.memory_space<hbm>> -> memref<128x16xf32, #tpu.memory_space<hbm>>
          %dma_wait3A_401 = arith.constant 128 : i32
          %dma_wait3A_402 = arith.constant 0 : i32
          %dma_wait3A_403 = tpu.memref_slice %arg14[%dma_wait3A_401, %dma_wait3A_402] : memref<512x16xf32, #tpu.memory_space<vmem>> -> memref<128x16xf32, #tpu.memory_space<vmem>>
          tpu.wait_dma2 semaphore(%dma_wait3A_397 : memref<!tpu.dma_semaphore, #tpu.memory_space<semaphore_mem>>) src(%dma_wait3A_403 : memref<128x16xf32, #tpu.memory_space<vmem>>) dst(%dma_wait3A_400 : memref<128x16xf32, #tpu.memory_space<hbm>>)
        } else {
        }
        %add3A_306 = arith.addi %mul3A_2, %add3A_251 : i32
        %div3A_307 = arith.constant 8 : i32
        %div3A_308 = arith.divsi %add3A_306, %div3A_307 : i32
        %sub3A_309 = arith.subi %div3A_308, %div3A_3 : i32
        %rem3A_310 = arith.constant 8 : i32
        %rem3A_311 = arith.remsi %add3A_306, %rem3A_310 : i32
        %mul3A_312 = arith.constant 128 : i32
        %mul3A_313 = arith.muli %rem3A_311, %mul3A_312 : i32
        %dma_start3A = arith.constant 1 : i32
        %dma_start3A_314 = arith.constant 128 : i32
        %dma_start3A_315 = arith.constant 0 : i32
        %dma_start3A_316 = tpu.memref_slice %arg12[%dma_start3A_314, %dma_start3A_315] : memref<512x128xf32, #tpu.memory_space<vmem>> -> memref<128x128xf32, #tpu.memory_space<vmem>>
        %dma_start3A_317 = tpu.memref_slice %arg9[%sub3A_309, %mul3A_313] : memref<7x1024xi32, #tpu.memory_space<vmem>> -> memref<1x128xi32, #tpu.memory_space<vmem>>
        %dma_start3A_318 = tpu.memref_squeeze %dma_start3A_317 : memref<1x128xi32, #tpu.memory_space<vmem>> -> memref<128xi32, #tpu.memory_space<vmem>>
        %dma_start3A_319 = arith.constant 0 : i32
        %dma_start3A_320 = arith.constant 0 : i32
        %dma_start3A_321 = tpu.memref_slice %arg5[%dma_start3A_319, %dma_start3A_320] : memref<1000000x128xf32, #tpu.memory_space<hbm>> -> memref<1000000x128xf32, #tpu.memory_space<hbm>>
        %dma_start3A_322 = tpu.memref_slice %arg15[%dma_start3A] : memref<4x!tpu.dma_semaphore, #tpu.memory_space<semaphore_mem>> -> memref<1x!tpu.dma_semaphore, #tpu.memory_space<semaphore_mem>>
        %dma_start3A_323 = tpu.memref_squeeze %dma_start3A_322 : memref<1x!tpu.dma_semaphore, #tpu.memory_space<semaphore_mem>> -> memref<!tpu.dma_semaphore, #tpu.memory_space<semaphore_mem>>
        tpu.enqueue_indirect_dma source(%dma_start3A_321 : memref<1000000x128xf32, #tpu.memory_space<hbm>>) target(%dma_start3A_316 : memref<128x128xf32, #tpu.memory_space<vmem>>) offsets(%dma_start3A_318 : memref<128xi32, #tpu.memory_space<vmem>>) semaphore(%dma_start3A_323 : memref<!tpu.dma_semaphore, #tpu.memory_space<semaphore_mem>>)
        %dma_start3A_324 = arith.constant 1 : i32
        %dma_start3A_325 = arith.constant 128 : i32
        %dma_start3A_326 = arith.constant 0 : i32
        %dma_start3A_327 = tpu.memref_slice %arg13[%dma_start3A_325, %dma_start3A_326] : memref<512x16xf32, #tpu.memory_space<vmem>> -> memref<128x16xf32, #tpu.memory_space<vmem>>
        %dma_start3A_328 = tpu.memref_slice %arg10[%sub3A_309, %mul3A_313] : memref<7x1024xi32, #tpu.memory_space<vmem>> -> memref<1x128xi32, #tpu.memory_space<vmem>>
        %dma_start3A_329 = tpu.memref_squeeze %dma_start3A_328 : memref<1x128xi32, #tpu.memory_space<vmem>> -> memref<128xi32, #tpu.memory_space<vmem>>
        %dma_start3A_330 = arith.constant 0 : i32
        %dma_start3A_331 = arith.constant 0 : i32
        %dma_start3A_332 = tpu.memref_slice %arg6[%dma_start3A_330, %dma_start3A_331] : memref<512x16xf32, #tpu.memory_space<hbm>> -> memref<512x16xf32, #tpu.memory_space<hbm>>
        %dma_start3A_333 = tpu.memref_slice %arg15[%dma_start3A_324] : memref<4x!tpu.dma_semaphore, #tpu.memory_space<semaphore_mem>> -> memref<1x!tpu.dma_semaphore, #tpu.memory_space<semaphore_mem>>
        %dma_start3A_334 = tpu.memref_squeeze %dma_start3A_333 : memref<1x!tpu.dma_semaphore, #tpu.memory_space<semaphore_mem>> -> memref<!tpu.dma_semaphore, #tpu.memory_space<semaphore_mem>>
        tpu.enqueue_indirect_dma source(%dma_start3A_332 : memref<512x16xf32, #tpu.memory_space<hbm>>) target(%dma_start3A_327 : memref<128x16xf32, #tpu.memory_space<vmem>>) offsets(%dma_start3A_329 : memref<128xi32, #tpu.memory_space<vmem>>) semaphore(%dma_start3A_334 : memref<!tpu.dma_semaphore, #tpu.memory_space<semaphore_mem>>)
        %dma_start3A_335 = arith.constant 1 : i32
        %dma_start3A_336 = arith.constant 128 : i32
        %dma_start3A_337 = arith.constant 0 : i32
        %dma_start3A_338 = tpu.memref_slice %arg14[%dma_start3A_336, %dma_start3A_337] : memref<512x16xf32, #tpu.memory_space<vmem>> -> memref<128x16xf32, #tpu.memory_space<vmem>>
        %dma_start3A_339 = tpu.memref_slice %arg11[%sub3A_309, %mul3A_313] : memref<7x1024xi32, #tpu.memory_space<vmem>> -> memref<1x128xi32, #tpu.memory_space<vmem>>
        %dma_start3A_340 = tpu.memref_squeeze %dma_start3A_339 : memref<1x128xi32, #tpu.memory_space<vmem>> -> memref<128xi32, #tpu.memory_space<vmem>>
        %dma_start3A_341 = arith.constant 0 : i32
        %dma_start3A_342 = arith.constant 0 : i32
        %dma_start3A_343 = tpu.memref_slice %arg7[%dma_start3A_341, %dma_start3A_342] : memref<512x16xf32, #tpu.memory_space<hbm>> -> memref<512x16xf32, #tpu.memory_space<hbm>>
        %dma_start3A_344 = tpu.memref_slice %arg15[%dma_start3A_335] : memref<4x!tpu.dma_semaphore, #tpu.memory_space<semaphore_mem>> -> memref<1x!tpu.dma_semaphore, #tpu.memory_space<semaphore_mem>>
        %dma_start3A_345 = tpu.memref_squeeze %dma_start3A_344 : memref<1x!tpu.dma_semaphore, #tpu.memory_space<semaphore_mem>> -> memref<!tpu.dma_semaphore, #tpu.memory_space<semaphore_mem>>
        tpu.enqueue_indirect_dma source(%dma_start3A_343 : memref<512x16xf32, #tpu.memory_space<hbm>>) target(%dma_start3A_338 : memref<128x16xf32, #tpu.memory_space<vmem>>) offsets(%dma_start3A_340 : memref<128xi32, #tpu.memory_space<vmem>>) semaphore(%dma_start3A_345 : memref<!tpu.dma_semaphore, #tpu.memory_space<semaphore_mem>>)
      } else {
      }
      %add3A_267 = arith.constant 2 : i32
      %add3A_268 = arith.addi %add3A_237, %add3A_267 : i32
      %sub3A_269 = arith.constant 2 : i32
      %sub3A_270 = arith.subi %add3A_268, %sub3A_269 : i32
      %ge3A_271 = arith.constant 0 : i32
      %ge3A_272 = arith.cmpi sge, %sub3A_270, %ge3A_271 : i32
      %lt3A_273 = arith.constant 50 : i32
      %lt3A_274 = arith.cmpi slt, %sub3A_270, %lt3A_273 : i32
      %and3A_275 = arith.andi %ge3A_272, %lt3A_274 : i1
      %convert_element_type3A_276 = arith.extui %and3A_275 : i1 to i32
      %cond3A_277 = arith.constant 0 : i32
      %cond3A_278 = arith.cmpi ne, %convert_element_type3A_276, %cond3A_277 : i32
      scf.if %cond3A_278 {
        %add3A_301 = arith.addi %mul3A_2, %sub3A_270 : i32
        %div3A_302 = arith.constant 8 : i32
        %div3A_303 = arith.divsi %add3A_301, %div3A_302 : i32
        %sub3A_304 = arith.subi %div3A_303, %div3A_3 : i32
        %rem3A_305 = arith.constant 8 : i32
        %rem3A_306 = arith.remsi %add3A_301, %rem3A_305 : i32
        %mul3A_307 = arith.constant 128 : i32
        %mul3A_308 = arith.muli %rem3A_306, %mul3A_307 : i32
        %add3A_309 = arith.addi %mul3A_2, %sub3A_270 : i32
        %div3A_310 = arith.constant 8 : i32
        %div3A_311 = arith.divsi %add3A_309, %div3A_310 : i32
        %sub3A_312 = arith.subi %div3A_311, %div3A_3 : i32
        %rem3A_313 = arith.constant 8 : i32
        %rem3A_314 = arith.remsi %add3A_309, %rem3A_313 : i32
        %mul3A_315 = arith.constant 128 : i32
        %mul3A_316 = arith.muli %rem3A_314, %mul3A_315 : i32
        %dma_wait3A_317 = arith.constant 0 : i32
        %dma_wait3A_318 = arith.constant 0 : i32
        %dma_wait3A_319 = arith.constant 0 : i32
        %dma_wait3A_320 = tpu.memref_slice %arg12[%dma_wait3A_318, %dma_wait3A_319] : memref<512x128xf32, #tpu.memory_space<vmem>> -> memref<128x128xf32, #tpu.memory_space<vmem>>
        %dma_wait3A_321 = tpu.memref_slice %arg9[%sub3A_304, %mul3A_308] : memref<7x1024xi32, #tpu.memory_space<vmem>> -> memref<1x128xi32, #tpu.memory_space<vmem>>
        %dma_wait3A_322 = tpu.memref_squeeze %dma_wait3A_321 : memref<1x128xi32, #tpu.memory_space<vmem>> -> memref<128xi32, #tpu.memory_space<vmem>>
        %dma_wait3A_323 = arith.constant 0 : i32
        %dma_wait3A_324 = arith.constant 0 : i32
        %dma_wait3A_325 = tpu.memref_slice %arg5[%dma_wait3A_323, %dma_wait3A_324] : memref<1000000x128xf32, #tpu.memory_space<hbm>> -> memref<1000000x128xf32, #tpu.memory_space<hbm>>
        %dma_wait3A_326 = tpu.memref_slice %arg15[%dma_wait3A_317] : memref<4x!tpu.dma_semaphore, #tpu.memory_space<semaphore_mem>> -> memref<1x!tpu.dma_semaphore, #tpu.memory_space<semaphore_mem>>
        %dma_wait3A_327 = tpu.memref_squeeze %dma_wait3A_326 : memref<1x!tpu.dma_semaphore, #tpu.memory_space<semaphore_mem>> -> memref<!tpu.dma_semaphore, #tpu.memory_space<semaphore_mem>>
        tpu.wait_indirect_dma semaphore(%dma_wait3A_327 : memref<!tpu.dma_semaphore, #tpu.memory_space<semaphore_mem>>) src(%dma_wait3A_325 : memref<1000000x128xf32, #tpu.memory_space<hbm>>) dst(%dma_wait3A_320 : memref<128x128xf32, #tpu.memory_space<vmem>>)
        %dma_wait3A_328 = arith.constant 0 : i32
        %dma_wait3A_329 = arith.constant 0 : i32
        %dma_wait3A_330 = arith.constant 0 : i32
        %dma_wait3A_331 = tpu.memref_slice %arg13[%dma_wait3A_329, %dma_wait3A_330] : memref<512x16xf32, #tpu.memory_space<vmem>> -> memref<128x16xf32, #tpu.memory_space<vmem>>
        %dma_wait3A_332 = tpu.memref_slice %arg10[%sub3A_304, %mul3A_308] : memref<7x1024xi32, #tpu.memory_space<vmem>> -> memref<1x128xi32, #tpu.memory_space<vmem>>
        %dma_wait3A_333 = tpu.memref_squeeze %dma_wait3A_332 : memref<1x128xi32, #tpu.memory_space<vmem>> -> memref<128xi32, #tpu.memory_space<vmem>>
        %dma_wait3A_334 = arith.constant 0 : i32
        %dma_wait3A_335 = arith.constant 0 : i32
        %dma_wait3A_336 = tpu.memref_slice %arg6[%dma_wait3A_334, %dma_wait3A_335] : memref<512x16xf32, #tpu.memory_space<hbm>> -> memref<512x16xf32, #tpu.memory_space<hbm>>
        %dma_wait3A_337 = tpu.memref_slice %arg15[%dma_wait3A_328] : memref<4x!tpu.dma_semaphore, #tpu.memory_space<semaphore_mem>> -> memref<1x!tpu.dma_semaphore, #tpu.memory_space<semaphore_mem>>
        %dma_wait3A_338 = tpu.memref_squeeze %dma_wait3A_337 : memref<1x!tpu.dma_semaphore, #tpu.memory_space<semaphore_mem>> -> memref<!tpu.dma_semaphore, #tpu.memory_space<semaphore_mem>>
        tpu.wait_indirect_dma semaphore(%dma_wait3A_338 : memref<!tpu.dma_semaphore, #tpu.memory_space<semaphore_mem>>) src(%dma_wait3A_336 : memref<512x16xf32, #tpu.memory_space<hbm>>) dst(%dma_wait3A_331 : memref<128x16xf32, #tpu.memory_space<vmem>>)
        %dma_wait3A_339 = arith.constant 0 : i32
        %dma_wait3A_340 = arith.constant 0 : i32
        %dma_wait3A_341 = arith.constant 0 : i32
        %dma_wait3A_342 = tpu.memref_slice %arg14[%dma_wait3A_340, %dma_wait3A_341] : memref<512x16xf32, #tpu.memory_space<vmem>> -> memref<128x16xf32, #tpu.memory_space<vmem>>
        %dma_wait3A_343 = tpu.memref_slice %arg11[%sub3A_304, %mul3A_308] : memref<7x1024xi32, #tpu.memory_space<vmem>> -> memref<1x128xi32, #tpu.memory_space<vmem>>
        %dma_wait3A_344 = tpu.memref_squeeze %dma_wait3A_343 : memref<1x128xi32, #tpu.memory_space<vmem>> -> memref<128xi32, #tpu.memory_space<vmem>>
        %dma_wait3A_345 = arith.constant 0 : i32
        %dma_wait3A_346 = arith.constant 0 : i32
        %dma_wait3A_347 = tpu.memref_slice %arg7[%dma_wait3A_345, %dma_wait3A_346] : memref<512x16xf32, #tpu.memory_space<hbm>> -> memref<512x16xf32, #tpu.memory_space<hbm>>
        %dma_wait3A_348 = tpu.memref_slice %arg15[%dma_wait3A_339] : memref<4x!tpu.dma_semaphore, #tpu.memory_space<semaphore_mem>> -> memref<1x!tpu.dma_semaphore, #tpu.memory_space<semaphore_mem>>
        %dma_wait3A_349 = tpu.memref_squeeze %dma_wait3A_348 : memref<1x!tpu.dma_semaphore, #tpu.memory_space<semaphore_mem>> -> memref<!tpu.dma_semaphore, #tpu.memory_space<semaphore_mem>>
        tpu.wait_indirect_dma semaphore(%dma_wait3A_349 : memref<!tpu.dma_semaphore, #tpu.memory_space<semaphore_mem>>) src(%dma_wait3A_347 : memref<512x16xf32, #tpu.memory_space<hbm>>) dst(%dma_wait3A_342 : memref<128x16xf32, #tpu.memory_space<vmem>>)
        %dma_start3A = arith.constant 0 : i32
        %dma_start3A_350 = arith.constant 0 : i32
        %dma_start3A_351 = arith.constant 0 : i32
        %dma_start3A_352 = arith.constant 0 : i32
        %dma_start3A_353 = tpu.memref_slice %arg12[%dma_start3A_351, %dma_start3A_352] : memref<512x128xf32, #tpu.memory_space<vmem>> -> memref<128x64xf32, #tpu.memory_space<vmem>>
        %dma_start3A_354 = arith.constant 0 : i32
        %dma_start3A_355 = tpu.memref_slice %arg8[%mul3A_316, %dma_start3A, %div3A_311, %dma_start3A_354] : memref<1024x1x200x96xf32, #tpu.memory_space<hbm>> -> memref<128x1x1x64xf32, #tpu.memory_space<hbm>>
        %dma_start3A_356 = tpu.memref_squeeze %dma_start3A_355 : memref<128x1x1x64xf32, #tpu.memory_space<hbm>> -> memref<128x64xf32, #tpu.memory_space<hbm>>
        %dma_start3A_357 = tpu.memref_slice %arg16[%dma_start3A_350] : memref<4x!tpu.dma_semaphore, #tpu.memory_space<semaphore_mem>> -> memref<1x!tpu.dma_semaphore, #tpu.memory_space<semaphore_mem>>
        %dma_start3A_358 = tpu.memref_squeeze %dma_start3A_357 : memref<1x!tpu.dma_semaphore, #tpu.memory_space<semaphore_mem>> -> memref<!tpu.dma_semaphore, #tpu.memory_space<semaphore_mem>>
        %dma_start3A_359 = arith.constant 0 : i32
        %dma_start3A_360 = tpu.memref_slice %arg8[%mul3A_316, %dma_start3A, %div3A_311, %dma_start3A_359] : memref<1024x1x200x96xf32, #tpu.memory_space<hbm>> -> memref<128x1x1x64xf32, #tpu.memory_space<hbm>>
        %dma_start3A_361 = tpu.memref_squeeze %dma_start3A_360 : memref<128x1x1x64xf32, #tpu.memory_space<hbm>> -> memref<128x64xf32, #tpu.memory_space<hbm>>
        %dma_start3A_362 = arith.constant 0 : i32
        %dma_start3A_363 = arith.constant 0 : i32
        %dma_start3A_364 = tpu.memref_slice %arg12[%dma_start3A_362, %dma_start3A_363] : memref<512x128xf32, #tpu.memory_space<vmem>> -> memref<128x64xf32, #tpu.memory_space<vmem>>
        tpu.enqueue_dma source(%dma_start3A_364 : memref<128x64xf32, #tpu.memory_space<vmem>>) target(%dma_start3A_361 : memref<128x64xf32, #tpu.memory_space<hbm>>) target_semaphore(%dma_start3A_358 : memref<!tpu.dma_semaphore, #tpu.memory_space<semaphore_mem>>)
        %dma_start3A_365 = arith.constant 0 : i32
        %dma_start3A_366 = arith.constant 0 : i32
        %dma_start3A_367 = arith.constant 0 : i32
        %dma_start3A_368 = arith.constant 0 : i32
        %dma_start3A_369 = tpu.memref_slice %arg13[%dma_start3A_367, %dma_start3A_368] : memref<512x16xf32, #tpu.memory_space<vmem>> -> memref<128x16xf32, #tpu.memory_space<vmem>>
        %dma_start3A_370 = arith.constant 64 : i32
        %dma_start3A_371 = tpu.memref_slice %arg8[%mul3A_316, %dma_start3A_365, %div3A_311, %dma_start3A_370] : memref<1024x1x200x96xf32, #tpu.memory_space<hbm>> -> memref<128x1x1x16xf32, #tpu.memory_space<hbm>>
        %dma_start3A_372 = tpu.memref_squeeze %dma_start3A_371 : memref<128x1x1x16xf32, #tpu.memory_space<hbm>> -> memref<128x16xf32, #tpu.memory_space<hbm>>
        %dma_start3A_373 = tpu.memref_slice %arg16[%dma_start3A_366] : memref<4x!tpu.dma_semaphore, #tpu.memory_space<semaphore_mem>> -> memref<1x!tpu.dma_semaphore, #tpu.memory_space<semaphore_mem>>
        %dma_start3A_374 = tpu.memref_squeeze %dma_start3A_373 : memref<1x!tpu.dma_semaphore, #tpu.memory_space<semaphore_mem>> -> memref<!tpu.dma_semaphore, #tpu.memory_space<semaphore_mem>>
        %dma_start3A_375 = arith.constant 64 : i32
        %dma_start3A_376 = tpu.memref_slice %arg8[%mul3A_316, %dma_start3A_365, %div3A_311, %dma_start3A_375] : memref<1024x1x200x96xf32, #tpu.memory_space<hbm>> -> memref<128x1x1x16xf32, #tpu.memory_space<hbm>>
        %dma_start3A_377 = tpu.memref_squeeze %dma_start3A_376 : memref<128x1x1x16xf32, #tpu.memory_space<hbm>> -> memref<128x16xf32, #tpu.memory_space<hbm>>
        %dma_start3A_378 = arith.constant 0 : i32
        %dma_start3A_379 = arith.constant 0 : i32
        %dma_start3A_380 = tpu.memref_slice %arg13[%dma_start3A_378, %dma_start3A_379] : memref<512x16xf32, #tpu.memory_space<vmem>> -> memref<128x16xf32, #tpu.memory_space<vmem>>
        tpu.enqueue_dma source(%dma_start3A_380 : memref<128x16xf32, #tpu.memory_space<vmem>>) target(%dma_start3A_377 : memref<128x16xf32, #tpu.memory_space<hbm>>) target_semaphore(%dma_start3A_374 : memref<!tpu.dma_semaphore, #tpu.memory_space<semaphore_mem>>)
        %dma_start3A_381 = arith.constant 0 : i32
        %dma_start3A_382 = arith.constant 0 : i32
        %dma_start3A_383 = arith.constant 0 : i32
        %dma_start3A_384 = arith.constant 0 : i32
        %dma_start3A_385 = tpu.memref_slice %arg14[%dma_start3A_383, %dma_start3A_384] : memref<512x16xf32, #tpu.memory_space<vmem>> -> memref<128x16xf32, #tpu.memory_space<vmem>>
        %dma_start3A_386 = arith.constant 80 : i32
        %dma_start3A_387 = tpu.memref_slice %arg8[%mul3A_316, %dma_start3A_381, %div3A_311, %dma_start3A_386] : memref<1024x1x200x96xf32, #tpu.memory_space<hbm>> -> memref<128x1x1x16xf32, #tpu.memory_space<hbm>>
        %dma_start3A_388 = tpu.memref_squeeze %dma_start3A_387 : memref<128x1x1x16xf32, #tpu.memory_space<hbm>> -> memref<128x16xf32, #tpu.memory_space<hbm>>
        %dma_start3A_389 = tpu.memref_slice %arg16[%dma_start3A_382] : memref<4x!tpu.dma_semaphore, #tpu.memory_space<semaphore_mem>> -> memref<1x!tpu.dma_semaphore, #tpu.memory_space<semaphore_mem>>
        %dma_start3A_390 = tpu.memref_squeeze %dma_start3A_389 : memref<1x!tpu.dma_semaphore, #tpu.memory_space<semaphore_mem>> -> memref<!tpu.dma_semaphore, #tpu.memory_space<semaphore_mem>>
        %dma_start3A_391 = arith.constant 80 : i32
        %dma_start3A_392 = tpu.memref_slice %arg8[%mul3A_316, %dma_start3A_381, %div3A_311, %dma_start3A_391] : memref<1024x1x200x96xf32, #tpu.memory_space<hbm>> -> memref<128x1x1x16xf32, #tpu.memory_space<hbm>>
        %dma_start3A_393 = tpu.memref_squeeze %dma_start3A_392 : memref<128x1x1x16xf32, #tpu.memory_space<hbm>> -> memref<128x16xf32, #tpu.memory_space<hbm>>
        %dma_start3A_394 = arith.constant 0 : i32
        %dma_start3A_395 = arith.constant 0 : i32
        %dma_start3A_396 = tpu.memref_slice %arg14[%dma_start3A_394, %dma_start3A_395] : memref<512x16xf32, #tpu.memory_space<vmem>> -> memref<128x16xf32, #tpu.memory_space<vmem>>
        tpu.enqueue_dma source(%dma_start3A_396 : memref<128x16xf32, #tpu.memory_space<vmem>>) target(%dma_start3A_393 : memref<128x16xf32, #tpu.memory_space<hbm>>) target_semaphore(%dma_start3A_390 : memref<!tpu.dma_semaphore, #tpu.memory_space<semaphore_mem>>)
      } else {
      }
      %lt3A_279 = arith.constant 50 : i32
      %lt3A_280 = arith.cmpi slt, %add3A_268, %lt3A_279 : i32
      %convert_element_type3A_281 = arith.extui %lt3A_280 : i1 to i32
      %cond3A_282 = arith.constant 0 : i32
      %cond3A_283 = arith.cmpi ne, %convert_element_type3A_281, %cond3A_282 : i32
      scf.if %cond3A_283 {
        %ge3A_301 = arith.constant 4 : i32
        %ge3A_302 = arith.cmpi sge, %add3A_268, %ge3A_301 : i32
        %convert_element_type3A_303 = arith.extui %ge3A_302 : i1 to i32
        %cond3A_304 = arith.constant 0 : i32
        %cond3A_305 = arith.cmpi ne, %convert_element_type3A_303, %cond3A_304 : i32
        scf.if %cond3A_305 {
          %sub3A_346 = arith.constant 4 : i32
          %sub3A_347 = arith.subi %add3A_268, %sub3A_346 : i32
          %add3A_348 = arith.addi %mul3A_2, %sub3A_347 : i32
          %div3A_349 = arith.constant 8 : i32
          %div3A_350 = arith.divsi %add3A_348, %div3A_349 : i32
          %sub3A_351 = arith.subi %div3A_350, %div3A_3 : i32
          %rem3A_352 = arith.constant 8 : i32
          %rem3A_353 = arith.remsi %add3A_348, %rem3A_352 : i32
          %mul3A_354 = arith.constant 128 : i32
          %mul3A_355 = arith.muli %rem3A_353, %mul3A_354 : i32
          %dma_wait3A_356 = arith.constant 0 : i32
          %dma_wait3A_357 = arith.constant 2 : i32
          %dma_wait3A_358 = arith.constant 256 : i32
          %dma_wait3A_359 = arith.constant 0 : i32
          %dma_wait3A_360 = tpu.memref_slice %arg12[%dma_wait3A_358, %dma_wait3A_359] : memref<512x128xf32, #tpu.memory_space<vmem>> -> memref<128x64xf32, #tpu.memory_space<vmem>>
          %dma_wait3A_361 = arith.constant 0 : i32
          %dma_wait3A_362 = tpu.memref_slice %arg8[%mul3A_355, %dma_wait3A_356, %div3A_350, %dma_wait3A_361] : memref<1024x1x200x96xf32, #tpu.memory_space<hbm>> -> memref<128x1x1x64xf32, #tpu.memory_space<hbm>>
          %dma_wait3A_363 = tpu.memref_squeeze %dma_wait3A_362 : memref<128x1x1x64xf32, #tpu.memory_space<hbm>> -> memref<128x64xf32, #tpu.memory_space<hbm>>
          %dma_wait3A_364 = tpu.memref_slice %arg16[%dma_wait3A_357] : memref<4x!tpu.dma_semaphore, #tpu.memory_space<semaphore_mem>> -> memref<1x!tpu.dma_semaphore, #tpu.memory_space<semaphore_mem>>
          %dma_wait3A_365 = tpu.memref_squeeze %dma_wait3A_364 : memref<1x!tpu.dma_semaphore, #tpu.memory_space<semaphore_mem>> -> memref<!tpu.dma_semaphore, #tpu.memory_space<semaphore_mem>>
          %dma_wait3A_366 = arith.constant 0 : i32
          %dma_wait3A_367 = tpu.memref_slice %arg8[%mul3A_355, %dma_wait3A_356, %div3A_350, %dma_wait3A_366] : memref<1024x1x200x96xf32, #tpu.memory_space<hbm>> -> memref<128x1x1x64xf32, #tpu.memory_space<hbm>>
          %dma_wait3A_368 = tpu.memref_squeeze %dma_wait3A_367 : memref<128x1x1x64xf32, #tpu.memory_space<hbm>> -> memref<128x64xf32, #tpu.memory_space<hbm>>
          %dma_wait3A_369 = arith.constant 256 : i32
          %dma_wait3A_370 = arith.constant 0 : i32
          %dma_wait3A_371 = tpu.memref_slice %arg12[%dma_wait3A_369, %dma_wait3A_370] : memref<512x128xf32, #tpu.memory_space<vmem>> -> memref<128x64xf32, #tpu.memory_space<vmem>>
          tpu.wait_dma2 semaphore(%dma_wait3A_365 : memref<!tpu.dma_semaphore, #tpu.memory_space<semaphore_mem>>) src(%dma_wait3A_371 : memref<128x64xf32, #tpu.memory_space<vmem>>) dst(%dma_wait3A_368 : memref<128x64xf32, #tpu.memory_space<hbm>>)
          %dma_wait3A_372 = arith.constant 0 : i32
          %dma_wait3A_373 = arith.constant 2 : i32
          %dma_wait3A_374 = arith.constant 256 : i32
          %dma_wait3A_375 = arith.constant 0 : i32
          %dma_wait3A_376 = tpu.memref_slice %arg13[%dma_wait3A_374, %dma_wait3A_375] : memref<512x16xf32, #tpu.memory_space<vmem>> -> memref<128x16xf32, #tpu.memory_space<vmem>>
          %dma_wait3A_377 = arith.constant 64 : i32
          %dma_wait3A_378 = tpu.memref_slice %arg8[%mul3A_355, %dma_wait3A_372, %div3A_350, %dma_wait3A_377] : memref<1024x1x200x96xf32, #tpu.memory_space<hbm>> -> memref<128x1x1x16xf32, #tpu.memory_space<hbm>>
          %dma_wait3A_379 = tpu.memref_squeeze %dma_wait3A_378 : memref<128x1x1x16xf32, #tpu.memory_space<hbm>> -> memref<128x16xf32, #tpu.memory_space<hbm>>
          %dma_wait3A_380 = tpu.memref_slice %arg16[%dma_wait3A_373] : memref<4x!tpu.dma_semaphore, #tpu.memory_space<semaphore_mem>> -> memref<1x!tpu.dma_semaphore, #tpu.memory_space<semaphore_mem>>
          %dma_wait3A_381 = tpu.memref_squeeze %dma_wait3A_380 : memref<1x!tpu.dma_semaphore, #tpu.memory_space<semaphore_mem>> -> memref<!tpu.dma_semaphore, #tpu.memory_space<semaphore_mem>>
          %dma_wait3A_382 = arith.constant 64 : i32
          %dma_wait3A_383 = tpu.memref_slice %arg8[%mul3A_355, %dma_wait3A_372, %div3A_350, %dma_wait3A_382] : memref<1024x1x200x96xf32, #tpu.memory_space<hbm>> -> memref<128x1x1x16xf32, #tpu.memory_space<hbm>>
          %dma_wait3A_384 = tpu.memref_squeeze %dma_wait3A_383 : memref<128x1x1x16xf32, #tpu.memory_space<hbm>> -> memref<128x16xf32, #tpu.memory_space<hbm>>
          %dma_wait3A_385 = arith.constant 256 : i32
          %dma_wait3A_386 = arith.constant 0 : i32
          %dma_wait3A_387 = tpu.memref_slice %arg13[%dma_wait3A_385, %dma_wait3A_386] : memref<512x16xf32, #tpu.memory_space<vmem>> -> memref<128x16xf32, #tpu.memory_space<vmem>>
          tpu.wait_dma2 semaphore(%dma_wait3A_381 : memref<!tpu.dma_semaphore, #tpu.memory_space<semaphore_mem>>) src(%dma_wait3A_387 : memref<128x16xf32, #tpu.memory_space<vmem>>) dst(%dma_wait3A_384 : memref<128x16xf32, #tpu.memory_space<hbm>>)
          %dma_wait3A_388 = arith.constant 0 : i32
          %dma_wait3A_389 = arith.constant 2 : i32
          %dma_wait3A_390 = arith.constant 256 : i32
          %dma_wait3A_391 = arith.constant 0 : i32
          %dma_wait3A_392 = tpu.memref_slice %arg14[%dma_wait3A_390, %dma_wait3A_391] : memref<512x16xf32, #tpu.memory_space<vmem>> -> memref<128x16xf32, #tpu.memory_space<vmem>>
          %dma_wait3A_393 = arith.constant 80 : i32
          %dma_wait3A_394 = tpu.memref_slice %arg8[%mul3A_355, %dma_wait3A_388, %div3A_350, %dma_wait3A_393] : memref<1024x1x200x96xf32, #tpu.memory_space<hbm>> -> memref<128x1x1x16xf32, #tpu.memory_space<hbm>>
          %dma_wait3A_395 = tpu.memref_squeeze %dma_wait3A_394 : memref<128x1x1x16xf32, #tpu.memory_space<hbm>> -> memref<128x16xf32, #tpu.memory_space<hbm>>
          %dma_wait3A_396 = tpu.memref_slice %arg16[%dma_wait3A_389] : memref<4x!tpu.dma_semaphore, #tpu.memory_space<semaphore_mem>> -> memref<1x!tpu.dma_semaphore, #tpu.memory_space<semaphore_mem>>
          %dma_wait3A_397 = tpu.memref_squeeze %dma_wait3A_396 : memref<1x!tpu.dma_semaphore, #tpu.memory_space<semaphore_mem>> -> memref<!tpu.dma_semaphore, #tpu.memory_space<semaphore_mem>>
          %dma_wait3A_398 = arith.constant 80 : i32
          %dma_wait3A_399 = tpu.memref_slice %arg8[%mul3A_355, %dma_wait3A_388, %div3A_350, %dma_wait3A_398] : memref<1024x1x200x96xf32, #tpu.memory_space<hbm>> -> memref<128x1x1x16xf32, #tpu.memory_space<hbm>>
          %dma_wait3A_400 = tpu.memref_squeeze %dma_wait3A_399 : memref<128x1x1x16xf32, #tpu.memory_space<hbm>> -> memref<128x16xf32, #tpu.memory_space<hbm>>
          %dma_wait3A_401 = arith.constant 256 : i32
          %dma_wait3A_402 = arith.constant 0 : i32
          %dma_wait3A_403 = tpu.memref_slice %arg14[%dma_wait3A_401, %dma_wait3A_402] : memref<512x16xf32, #tpu.memory_space<vmem>> -> memref<128x16xf32, #tpu.memory_space<vmem>>
          tpu.wait_dma2 semaphore(%dma_wait3A_397 : memref<!tpu.dma_semaphore, #tpu.memory_space<semaphore_mem>>) src(%dma_wait3A_403 : memref<128x16xf32, #tpu.memory_space<vmem>>) dst(%dma_wait3A_400 : memref<128x16xf32, #tpu.memory_space<hbm>>)
        } else {
        }
        %add3A_306 = arith.addi %mul3A_2, %add3A_268 : i32
        %div3A_307 = arith.constant 8 : i32
        %div3A_308 = arith.divsi %add3A_306, %div3A_307 : i32
        %sub3A_309 = arith.subi %div3A_308, %div3A_3 : i32
        %rem3A_310 = arith.constant 8 : i32
        %rem3A_311 = arith.remsi %add3A_306, %rem3A_310 : i32
        %mul3A_312 = arith.constant 128 : i32
        %mul3A_313 = arith.muli %rem3A_311, %mul3A_312 : i32
        %dma_start3A = arith.constant 2 : i32
        %dma_start3A_314 = arith.constant 256 : i32
        %dma_start3A_315 = arith.constant 0 : i32
        %dma_start3A_316 = tpu.memref_slice %arg12[%dma_start3A_314, %dma_start3A_315] : memref<512x128xf32, #tpu.memory_space<vmem>> -> memref<128x128xf32, #tpu.memory_space<vmem>>
        %dma_start3A_317 = tpu.memref_slice %arg9[%sub3A_309, %mul3A_313] : memref<7x1024xi32, #tpu.memory_space<vmem>> -> memref<1x128xi32, #tpu.memory_space<vmem>>
        %dma_start3A_318 = tpu.memref_squeeze %dma_start3A_317 : memref<1x128xi32, #tpu.memory_space<vmem>> -> memref<128xi32, #tpu.memory_space<vmem>>
        %dma_start3A_319 = arith.constant 0 : i32
        %dma_start3A_320 = arith.constant 0 : i32
        %dma_start3A_321 = tpu.memref_slice %arg5[%dma_start3A_319, %dma_start3A_320] : memref<1000000x128xf32, #tpu.memory_space<hbm>> -> memref<1000000x128xf32, #tpu.memory_space<hbm>>
        %dma_start3A_322 = tpu.memref_slice %arg15[%dma_start3A] : memref<4x!tpu.dma_semaphore, #tpu.memory_space<semaphore_mem>> -> memref<1x!tpu.dma_semaphore, #tpu.memory_space<semaphore_mem>>
        %dma_start3A_323 = tpu.memref_squeeze %dma_start3A_322 : memref<1x!tpu.dma_semaphore, #tpu.memory_space<semaphore_mem>> -> memref<!tpu.dma_semaphore, #tpu.memory_space<semaphore_mem>>
        tpu.enqueue_indirect_dma source(%dma_start3A_321 : memref<1000000x128xf32, #tpu.memory_space<hbm>>) target(%dma_start3A_316 : memref<128x128xf32, #tpu.memory_space<vmem>>) offsets(%dma_start3A_318 : memref<128xi32, #tpu.memory_space<vmem>>) semaphore(%dma_start3A_323 : memref<!tpu.dma_semaphore, #tpu.memory_space<semaphore_mem>>)
        %dma_start3A_324 = arith.constant 2 : i32
        %dma_start3A_325 = arith.constant 256 : i32
        %dma_start3A_326 = arith.constant 0 : i32
        %dma_start3A_327 = tpu.memref_slice %arg13[%dma_start3A_325, %dma_start3A_326] : memref<512x16xf32, #tpu.memory_space<vmem>> -> memref<128x16xf32, #tpu.memory_space<vmem>>
        %dma_start3A_328 = tpu.memref_slice %arg10[%sub3A_309, %mul3A_313] : memref<7x1024xi32, #tpu.memory_space<vmem>> -> memref<1x128xi32, #tpu.memory_space<vmem>>
        %dma_start3A_329 = tpu.memref_squeeze %dma_start3A_328 : memref<1x128xi32, #tpu.memory_space<vmem>> -> memref<128xi32, #tpu.memory_space<vmem>>
        %dma_start3A_330 = arith.constant 0 : i32
        %dma_start3A_331 = arith.constant 0 : i32
        %dma_start3A_332 = tpu.memref_slice %arg6[%dma_start3A_330, %dma_start3A_331] : memref<512x16xf32, #tpu.memory_space<hbm>> -> memref<512x16xf32, #tpu.memory_space<hbm>>
        %dma_start3A_333 = tpu.memref_slice %arg15[%dma_start3A_324] : memref<4x!tpu.dma_semaphore, #tpu.memory_space<semaphore_mem>> -> memref<1x!tpu.dma_semaphore, #tpu.memory_space<semaphore_mem>>
        %dma_start3A_334 = tpu.memref_squeeze %dma_start3A_333 : memref<1x!tpu.dma_semaphore, #tpu.memory_space<semaphore_mem>> -> memref<!tpu.dma_semaphore, #tpu.memory_space<semaphore_mem>>
        tpu.enqueue_indirect_dma source(%dma_start3A_332 : memref<512x16xf32, #tpu.memory_space<hbm>>) target(%dma_start3A_327 : memref<128x16xf32, #tpu.memory_space<vmem>>) offsets(%dma_start3A_329 : memref<128xi32, #tpu.memory_space<vmem>>) semaphore(%dma_start3A_334 : memref<!tpu.dma_semaphore, #tpu.memory_space<semaphore_mem>>)
        %dma_start3A_335 = arith.constant 2 : i32
        %dma_start3A_336 = arith.constant 256 : i32
        %dma_start3A_337 = arith.constant 0 : i32
        %dma_start3A_338 = tpu.memref_slice %arg14[%dma_start3A_336, %dma_start3A_337] : memref<512x16xf32, #tpu.memory_space<vmem>> -> memref<128x16xf32, #tpu.memory_space<vmem>>
        %dma_start3A_339 = tpu.memref_slice %arg11[%sub3A_309, %mul3A_313] : memref<7x1024xi32, #tpu.memory_space<vmem>> -> memref<1x128xi32, #tpu.memory_space<vmem>>
        %dma_start3A_340 = tpu.memref_squeeze %dma_start3A_339 : memref<1x128xi32, #tpu.memory_space<vmem>> -> memref<128xi32, #tpu.memory_space<vmem>>
        %dma_start3A_341 = arith.constant 0 : i32
        %dma_start3A_342 = arith.constant 0 : i32
        %dma_start3A_343 = tpu.memref_slice %arg7[%dma_start3A_341, %dma_start3A_342] : memref<512x16xf32, #tpu.memory_space<hbm>> -> memref<512x16xf32, #tpu.memory_space<hbm>>
        %dma_start3A_344 = tpu.memref_slice %arg15[%dma_start3A_335] : memref<4x!tpu.dma_semaphore, #tpu.memory_space<semaphore_mem>> -> memref<1x!tpu.dma_semaphore, #tpu.memory_space<semaphore_mem>>
        %dma_start3A_345 = tpu.memref_squeeze %dma_start3A_344 : memref<1x!tpu.dma_semaphore, #tpu.memory_space<semaphore_mem>> -> memref<!tpu.dma_semaphore, #tpu.memory_space<semaphore_mem>>
        tpu.enqueue_indirect_dma source(%dma_start3A_343 : memref<512x16xf32, #tpu.memory_space<hbm>>) target(%dma_start3A_338 : memref<128x16xf32, #tpu.memory_space<vmem>>) offsets(%dma_start3A_340 : memref<128xi32, #tpu.memory_space<vmem>>) semaphore(%dma_start3A_345 : memref<!tpu.dma_semaphore, #tpu.memory_space<semaphore_mem>>)
      } else {
      }
      %add3A_284 = arith.constant 3 : i32
      %add3A_285 = arith.addi %add3A_237, %add3A_284 : i32
      %sub3A_286 = arith.constant 2 : i32
      %sub3A_287 = arith.subi %add3A_285, %sub3A_286 : i32
      %ge3A_288 = arith.constant 0 : i32
      %ge3A_289 = arith.cmpi sge, %sub3A_287, %ge3A_288 : i32
      %lt3A_290 = arith.constant 50 : i32
      %lt3A_291 = arith.cmpi slt, %sub3A_287, %lt3A_290 : i32
      %and3A_292 = arith.andi %ge3A_289, %lt3A_291 : i1
      %convert_element_type3A_293 = arith.extui %and3A_292 : i1 to i32
      %cond3A_294 = arith.constant 0 : i32
      %cond3A_295 = arith.cmpi ne, %convert_element_type3A_293, %cond3A_294 : i32
      scf.if %cond3A_295 {
        %add3A_301 = arith.addi %mul3A_2, %sub3A_287 : i32
        %div3A_302 = arith.constant 8 : i32
        %div3A_303 = arith.divsi %add3A_301, %div3A_302 : i32
        %sub3A_304 = arith.subi %div3A_303, %div3A_3 : i32
        %rem3A_305 = arith.constant 8 : i32
        %rem3A_306 = arith.remsi %add3A_301, %rem3A_305 : i32
        %mul3A_307 = arith.constant 128 : i32
        %mul3A_308 = arith.muli %rem3A_306, %mul3A_307 : i32
        %add3A_309 = arith.addi %mul3A_2, %sub3A_287 : i32
        %div3A_310 = arith.constant 8 : i32
        %div3A_311 = arith.divsi %add3A_309, %div3A_310 : i32
        %sub3A_312 = arith.subi %div3A_311, %div3A_3 : i32
        %rem3A_313 = arith.constant 8 : i32
        %rem3A_314 = arith.remsi %add3A_309, %rem3A_313 : i32
        %mul3A_315 = arith.constant 128 : i32
        %mul3A_316 = arith.muli %rem3A_314, %mul3A_315 : i32
        %dma_wait3A_317 = arith.constant 1 : i32
        %dma_wait3A_318 = arith.constant 128 : i32
        %dma_wait3A_319 = arith.constant 0 : i32
        %dma_wait3A_320 = tpu.memref_slice %arg12[%dma_wait3A_318, %dma_wait3A_319] : memref<512x128xf32, #tpu.memory_space<vmem>> -> memref<128x128xf32, #tpu.memory_space<vmem>>
        %dma_wait3A_321 = tpu.memref_slice %arg9[%sub3A_304, %mul3A_308] : memref<7x1024xi32, #tpu.memory_space<vmem>> -> memref<1x128xi32, #tpu.memory_space<vmem>>
        %dma_wait3A_322 = tpu.memref_squeeze %dma_wait3A_321 : memref<1x128xi32, #tpu.memory_space<vmem>> -> memref<128xi32, #tpu.memory_space<vmem>>
        %dma_wait3A_323 = arith.constant 0 : i32
        %dma_wait3A_324 = arith.constant 0 : i32
        %dma_wait3A_325 = tpu.memref_slice %arg5[%dma_wait3A_323, %dma_wait3A_324] : memref<1000000x128xf32, #tpu.memory_space<hbm>> -> memref<1000000x128xf32, #tpu.memory_space<hbm>>
        %dma_wait3A_326 = tpu.memref_slice %arg15[%dma_wait3A_317] : memref<4x!tpu.dma_semaphore, #tpu.memory_space<semaphore_mem>> -> memref<1x!tpu.dma_semaphore, #tpu.memory_space<semaphore_mem>>
        %dma_wait3A_327 = tpu.memref_squeeze %dma_wait3A_326 : memref<1x!tpu.dma_semaphore, #tpu.memory_space<semaphore_mem>> -> memref<!tpu.dma_semaphore, #tpu.memory_space<semaphore_mem>>
        tpu.wait_indirect_dma semaphore(%dma_wait3A_327 : memref<!tpu.dma_semaphore, #tpu.memory_space<semaphore_mem>>) src(%dma_wait3A_325 : memref<1000000x128xf32, #tpu.memory_space<hbm>>) dst(%dma_wait3A_320 : memref<128x128xf32, #tpu.memory_space<vmem>>)
        %dma_wait3A_328 = arith.constant 1 : i32
        %dma_wait3A_329 = arith.constant 128 : i32
        %dma_wait3A_330 = arith.constant 0 : i32
        %dma_wait3A_331 = tpu.memref_slice %arg13[%dma_wait3A_329, %dma_wait3A_330] : memref<512x16xf32, #tpu.memory_space<vmem>> -> memref<128x16xf32, #tpu.memory_space<vmem>>
        %dma_wait3A_332 = tpu.memref_slice %arg10[%sub3A_304, %mul3A_308] : memref<7x1024xi32, #tpu.memory_space<vmem>> -> memref<1x128xi32, #tpu.memory_space<vmem>>
        %dma_wait3A_333 = tpu.memref_squeeze %dma_wait3A_332 : memref<1x128xi32, #tpu.memory_space<vmem>> -> memref<128xi32, #tpu.memory_space<vmem>>
        %dma_wait3A_334 = arith.constant 0 : i32
        %dma_wait3A_335 = arith.constant 0 : i32
        %dma_wait3A_336 = tpu.memref_slice %arg6[%dma_wait3A_334, %dma_wait3A_335] : memref<512x16xf32, #tpu.memory_space<hbm>> -> memref<512x16xf32, #tpu.memory_space<hbm>>
        %dma_wait3A_337 = tpu.memref_slice %arg15[%dma_wait3A_328] : memref<4x!tpu.dma_semaphore, #tpu.memory_space<semaphore_mem>> -> memref<1x!tpu.dma_semaphore, #tpu.memory_space<semaphore_mem>>
        %dma_wait3A_338 = tpu.memref_squeeze %dma_wait3A_337 : memref<1x!tpu.dma_semaphore, #tpu.memory_space<semaphore_mem>> -> memref<!tpu.dma_semaphore, #tpu.memory_space<semaphore_mem>>
        tpu.wait_indirect_dma semaphore(%dma_wait3A_338 : memref<!tpu.dma_semaphore, #tpu.memory_space<semaphore_mem>>) src(%dma_wait3A_336 : memref<512x16xf32, #tpu.memory_space<hbm>>) dst(%dma_wait3A_331 : memref<128x16xf32, #tpu.memory_space<vmem>>)
        %dma_wait3A_339 = arith.constant 1 : i32
        %dma_wait3A_340 = arith.constant 128 : i32
        %dma_wait3A_341 = arith.constant 0 : i32
        %dma_wait3A_342 = tpu.memref_slice %arg14[%dma_wait3A_340, %dma_wait3A_341] : memref<512x16xf32, #tpu.memory_space<vmem>> -> memref<128x16xf32, #tpu.memory_space<vmem>>
        %dma_wait3A_343 = tpu.memref_slice %arg11[%sub3A_304, %mul3A_308] : memref<7x1024xi32, #tpu.memory_space<vmem>> -> memref<1x128xi32, #tpu.memory_space<vmem>>
        %dma_wait3A_344 = tpu.memref_squeeze %dma_wait3A_343 : memref<1x128xi32, #tpu.memory_space<vmem>> -> memref<128xi32, #tpu.memory_space<vmem>>
        %dma_wait3A_345 = arith.constant 0 : i32
        %dma_wait3A_346 = arith.constant 0 : i32
        %dma_wait3A_347 = tpu.memref_slice %arg7[%dma_wait3A_345, %dma_wait3A_346] : memref<512x16xf32, #tpu.memory_space<hbm>> -> memref<512x16xf32, #tpu.memory_space<hbm>>
        %dma_wait3A_348 = tpu.memref_slice %arg15[%dma_wait3A_339] : memref<4x!tpu.dma_semaphore, #tpu.memory_space<semaphore_mem>> -> memref<1x!tpu.dma_semaphore, #tpu.memory_space<semaphore_mem>>
        %dma_wait3A_349 = tpu.memref_squeeze %dma_wait3A_348 : memref<1x!tpu.dma_semaphore, #tpu.memory_space<semaphore_mem>> -> memref<!tpu.dma_semaphore, #tpu.memory_space<semaphore_mem>>
        tpu.wait_indirect_dma semaphore(%dma_wait3A_349 : memref<!tpu.dma_semaphore, #tpu.memory_space<semaphore_mem>>) src(%dma_wait3A_347 : memref<512x16xf32, #tpu.memory_space<hbm>>) dst(%dma_wait3A_342 : memref<128x16xf32, #tpu.memory_space<vmem>>)
        %dma_start3A = arith.constant 0 : i32
        %dma_start3A_350 = arith.constant 1 : i32
        %dma_start3A_351 = arith.constant 128 : i32
        %dma_start3A_352 = arith.constant 0 : i32
        %dma_start3A_353 = tpu.memref_slice %arg12[%dma_start3A_351, %dma_start3A_352] : memref<512x128xf32, #tpu.memory_space<vmem>> -> memref<128x64xf32, #tpu.memory_space<vmem>>
        %dma_start3A_354 = arith.constant 0 : i32
        %dma_start3A_355 = tpu.memref_slice %arg8[%mul3A_316, %dma_start3A, %div3A_311, %dma_start3A_354] : memref<1024x1x200x96xf32, #tpu.memory_space<hbm>> -> memref<128x1x1x64xf32, #tpu.memory_space<hbm>>
        %dma_start3A_356 = tpu.memref_squeeze %dma_start3A_355 : memref<128x1x1x64xf32, #tpu.memory_space<hbm>> -> memref<128x64xf32, #tpu.memory_space<hbm>>
        %dma_start3A_357 = tpu.memref_slice %arg16[%dma_start3A_350] : memref<4x!tpu.dma_semaphore, #tpu.memory_space<semaphore_mem>> -> memref<1x!tpu.dma_semaphore, #tpu.memory_space<semaphore_mem>>
        %dma_start3A_358 = tpu.memref_squeeze %dma_start3A_357 : memref<1x!tpu.dma_semaphore, #tpu.memory_space<semaphore_mem>> -> memref<!tpu.dma_semaphore, #tpu.memory_space<semaphore_mem>>
        %dma_start3A_359 = arith.constant 0 : i32
        %dma_start3A_360 = tpu.memref_slice %arg8[%mul3A_316, %dma_start3A, %div3A_311, %dma_start3A_359] : memref<1024x1x200x96xf32, #tpu.memory_space<hbm>> -> memref<128x1x1x64xf32, #tpu.memory_space<hbm>>
        %dma_start3A_361 = tpu.memref_squeeze %dma_start3A_360 : memref<128x1x1x64xf32, #tpu.memory_space<hbm>> -> memref<128x64xf32, #tpu.memory_space<hbm>>
        %dma_start3A_362 = arith.constant 128 : i32
        %dma_start3A_363 = arith.constant 0 : i32
        %dma_start3A_364 = tpu.memref_slice %arg12[%dma_start3A_362, %dma_start3A_363] : memref<512x128xf32, #tpu.memory_space<vmem>> -> memref<128x64xf32, #tpu.memory_space<vmem>>
        tpu.enqueue_dma source(%dma_start3A_364 : memref<128x64xf32, #tpu.memory_space<vmem>>) target(%dma_start3A_361 : memref<128x64xf32, #tpu.memory_space<hbm>>) target_semaphore(%dma_start3A_358 : memref<!tpu.dma_semaphore, #tpu.memory_space<semaphore_mem>>)
        %dma_start3A_365 = arith.constant 0 : i32
        %dma_start3A_366 = arith.constant 1 : i32
        %dma_start3A_367 = arith.constant 128 : i32
        %dma_start3A_368 = arith.constant 0 : i32
        %dma_start3A_369 = tpu.memref_slice %arg13[%dma_start3A_367, %dma_start3A_368] : memref<512x16xf32, #tpu.memory_space<vmem>> -> memref<128x16xf32, #tpu.memory_space<vmem>>
        %dma_start3A_370 = arith.constant 64 : i32
        %dma_start3A_371 = tpu.memref_slice %arg8[%mul3A_316, %dma_start3A_365, %div3A_311, %dma_start3A_370] : memref<1024x1x200x96xf32, #tpu.memory_space<hbm>> -> memref<128x1x1x16xf32, #tpu.memory_space<hbm>>
        %dma_start3A_372 = tpu.memref_squeeze %dma_start3A_371 : memref<128x1x1x16xf32, #tpu.memory_space<hbm>> -> memref<128x16xf32, #tpu.memory_space<hbm>>
        %dma_start3A_373 = tpu.memref_slice %arg16[%dma_start3A_366] : memref<4x!tpu.dma_semaphore, #tpu.memory_space<semaphore_mem>> -> memref<1x!tpu.dma_semaphore, #tpu.memory_space<semaphore_mem>>
        %dma_start3A_374 = tpu.memref_squeeze %dma_start3A_373 : memref<1x!tpu.dma_semaphore, #tpu.memory_space<semaphore_mem>> -> memref<!tpu.dma_semaphore, #tpu.memory_space<semaphore_mem>>
        %dma_start3A_375 = arith.constant 64 : i32
        %dma_start3A_376 = tpu.memref_slice %arg8[%mul3A_316, %dma_start3A_365, %div3A_311, %dma_start3A_375] : memref<1024x1x200x96xf32, #tpu.memory_space<hbm>> -> memref<128x1x1x16xf32, #tpu.memory_space<hbm>>
        %dma_start3A_377 = tpu.memref_squeeze %dma_start3A_376 : memref<128x1x1x16xf32, #tpu.memory_space<hbm>> -> memref<128x16xf32, #tpu.memory_space<hbm>>
        %dma_start3A_378 = arith.constant 128 : i32
        %dma_start3A_379 = arith.constant 0 : i32
        %dma_start3A_380 = tpu.memref_slice %arg13[%dma_start3A_378, %dma_start3A_379] : memref<512x16xf32, #tpu.memory_space<vmem>> -> memref<128x16xf32, #tpu.memory_space<vmem>>
        tpu.enqueue_dma source(%dma_start3A_380 : memref<128x16xf32, #tpu.memory_space<vmem>>) target(%dma_start3A_377 : memref<128x16xf32, #tpu.memory_space<hbm>>) target_semaphore(%dma_start3A_374 : memref<!tpu.dma_semaphore, #tpu.memory_space<semaphore_mem>>)
        %dma_start3A_381 = arith.constant 0 : i32
        %dma_start3A_382 = arith.constant 1 : i32
        %dma_start3A_383 = arith.constant 128 : i32
        %dma_start3A_384 = arith.constant 0 : i32
        %dma_start3A_385 = tpu.memref_slice %arg14[%dma_start3A_383, %dma_start3A_384] : memref<512x16xf32, #tpu.memory_space<vmem>> -> memref<128x16xf32, #tpu.memory_space<vmem>>
        %dma_start3A_386 = arith.constant 80 : i32
        %dma_start3A_387 = tpu.memref_slice %arg8[%mul3A_316, %dma_start3A_381, %div3A_311, %dma_start3A_386] : memref<1024x1x200x96xf32, #tpu.memory_space<hbm>> -> memref<128x1x1x16xf32, #tpu.memory_space<hbm>>
        %dma_start3A_388 = tpu.memref_squeeze %dma_start3A_387 : memref<128x1x1x16xf32, #tpu.memory_space<hbm>> -> memref<128x16xf32, #tpu.memory_space<hbm>>
        %dma_start3A_389 = tpu.memref_slice %arg16[%dma_start3A_382] : memref<4x!tpu.dma_semaphore, #tpu.memory_space<semaphore_mem>> -> memref<1x!tpu.dma_semaphore, #tpu.memory_space<semaphore_mem>>
        %dma_start3A_390 = tpu.memref_squeeze %dma_start3A_389 : memref<1x!tpu.dma_semaphore, #tpu.memory_space<semaphore_mem>> -> memref<!tpu.dma_semaphore, #tpu.memory_space<semaphore_mem>>
        %dma_start3A_391 = arith.constant 80 : i32
        %dma_start3A_392 = tpu.memref_slice %arg8[%mul3A_316, %dma_start3A_381, %div3A_311, %dma_start3A_391] : memref<1024x1x200x96xf32, #tpu.memory_space<hbm>> -> memref<128x1x1x16xf32, #tpu.memory_space<hbm>>
        %dma_start3A_393 = tpu.memref_squeeze %dma_start3A_392 : memref<128x1x1x16xf32, #tpu.memory_space<hbm>> -> memref<128x16xf32, #tpu.memory_space<hbm>>
        %dma_start3A_394 = arith.constant 128 : i32
        %dma_start3A_395 = arith.constant 0 : i32
        %dma_start3A_396 = tpu.memref_slice %arg14[%dma_start3A_394, %dma_start3A_395] : memref<512x16xf32, #tpu.memory_space<vmem>> -> memref<128x16xf32, #tpu.memory_space<vmem>>
        tpu.enqueue_dma source(%dma_start3A_396 : memref<128x16xf32, #tpu.memory_space<vmem>>) target(%dma_start3A_393 : memref<128x16xf32, #tpu.memory_space<hbm>>) target_semaphore(%dma_start3A_390 : memref<!tpu.dma_semaphore, #tpu.memory_space<semaphore_mem>>)
      } else {
      }
      %lt3A_296 = arith.constant 50 : i32
      %lt3A_297 = arith.cmpi slt, %add3A_285, %lt3A_296 : i32
      %convert_element_type3A_298 = arith.extui %lt3A_297 : i1 to i32
      %cond3A_299 = arith.constant 0 : i32
      %cond3A_300 = arith.cmpi ne, %convert_element_type3A_298, %cond3A_299 : i32
      scf.if %cond3A_300 {
        %ge3A_301 = arith.constant 4 : i32
        %ge3A_302 = arith.cmpi sge, %add3A_285, %ge3A_301 : i32
        %convert_element_type3A_303 = arith.extui %ge3A_302 : i1 to i32
        %cond3A_304 = arith.constant 0 : i32
        %cond3A_305 = arith.cmpi ne, %convert_element_type3A_303, %cond3A_304 : i32
        scf.if %cond3A_305 {
          %sub3A_346 = arith.constant 4 : i32
          %sub3A_347 = arith.subi %add3A_285, %sub3A_346 : i32
          %add3A_348 = arith.addi %mul3A_2, %sub3A_347 : i32
          %div3A_349 = arith.constant 8 : i32
          %div3A_350 = arith.divsi %add3A_348, %div3A_349 : i32
          %sub3A_351 = arith.subi %div3A_350, %div3A_3 : i32
          %rem3A_352 = arith.constant 8 : i32
          %rem3A_353 = arith.remsi %add3A_348, %rem3A_352 : i32
          %mul3A_354 = arith.constant 128 : i32
          %mul3A_355 = arith.muli %rem3A_353, %mul3A_354 : i32
          %dma_wait3A_356 = arith.constant 0 : i32
          %dma_wait3A_357 = arith.constant 3 : i32
          %dma_wait3A_358 = arith.constant 384 : i32
          %dma_wait3A_359 = arith.constant 0 : i32
          %dma_wait3A_360 = tpu.memref_slice %arg12[%dma_wait3A_358, %dma_wait3A_359] : memref<512x128xf32, #tpu.memory_space<vmem>> -> memref<128x64xf32, #tpu.memory_space<vmem>>
          %dma_wait3A_361 = arith.constant 0 : i32
          %dma_wait3A_362 = tpu.memref_slice %arg8[%mul3A_355, %dma_wait3A_356, %div3A_350, %dma_wait3A_361] : memref<1024x1x200x96xf32, #tpu.memory_space<hbm>> -> memref<128x1x1x64xf32, #tpu.memory_space<hbm>>
          %dma_wait3A_363 = tpu.memref_squeeze %dma_wait3A_362 : memref<128x1x1x64xf32, #tpu.memory_space<hbm>> -> memref<128x64xf32, #tpu.memory_space<hbm>>
          %dma_wait3A_364 = tpu.memref_slice %arg16[%dma_wait3A_357] : memref<4x!tpu.dma_semaphore, #tpu.memory_space<semaphore_mem>> -> memref<1x!tpu.dma_semaphore, #tpu.memory_space<semaphore_mem>>
          %dma_wait3A_365 = tpu.memref_squeeze %dma_wait3A_364 : memref<1x!tpu.dma_semaphore, #tpu.memory_space<semaphore_mem>> -> memref<!tpu.dma_semaphore, #tpu.memory_space<semaphore_mem>>
          %dma_wait3A_366 = arith.constant 0 : i32
          %dma_wait3A_367 = tpu.memref_slice %arg8[%mul3A_355, %dma_wait3A_356, %div3A_350, %dma_wait3A_366] : memref<1024x1x200x96xf32, #tpu.memory_space<hbm>> -> memref<128x1x1x64xf32, #tpu.memory_space<hbm>>
          %dma_wait3A_368 = tpu.memref_squeeze %dma_wait3A_367 : memref<128x1x1x64xf32, #tpu.memory_space<hbm>> -> memref<128x64xf32, #tpu.memory_space<hbm>>
          %dma_wait3A_369 = arith.constant 384 : i32
          %dma_wait3A_370 = arith.constant 0 : i32
          %dma_wait3A_371 = tpu.memref_slice %arg12[%dma_wait3A_369, %dma_wait3A_370] : memref<512x128xf32, #tpu.memory_space<vmem>> -> memref<128x64xf32, #tpu.memory_space<vmem>>
          tpu.wait_dma2 semaphore(%dma_wait3A_365 : memref<!tpu.dma_semaphore, #tpu.memory_space<semaphore_mem>>) src(%dma_wait3A_371 : memref<128x64xf32, #tpu.memory_space<vmem>>) dst(%dma_wait3A_368 : memref<128x64xf32, #tpu.memory_space<hbm>>)
          %dma_wait3A_372 = arith.constant 0 : i32
          %dma_wait3A_373 = arith.constant 3 : i32
          %dma_wait3A_374 = arith.constant 384 : i32
          %dma_wait3A_375 = arith.constant 0 : i32
          %dma_wait3A_376 = tpu.memref_slice %arg13[%dma_wait3A_374, %dma_wait3A_375] : memref<512x16xf32, #tpu.memory_space<vmem>> -> memref<128x16xf32, #tpu.memory_space<vmem>>
          %dma_wait3A_377 = arith.constant 64 : i32
          %dma_wait3A_378 = tpu.memref_slice %arg8[%mul3A_355, %dma_wait3A_372, %div3A_350, %dma_wait3A_377] : memref<1024x1x200x96xf32, #tpu.memory_space<hbm>> -> memref<128x1x1x16xf32, #tpu.memory_space<hbm>>
          %dma_wait3A_379 = tpu.memref_squeeze %dma_wait3A_378 : memref<128x1x1x16xf32, #tpu.memory_space<hbm>> -> memref<128x16xf32, #tpu.memory_space<hbm>>
          %dma_wait3A_380 = tpu.memref_slice %arg16[%dma_wait3A_373] : memref<4x!tpu.dma_semaphore, #tpu.memory_space<semaphore_mem>> -> memref<1x!tpu.dma_semaphore, #tpu.memory_space<semaphore_mem>>
          %dma_wait3A_381 = tpu.memref_squeeze %dma_wait3A_380 : memref<1x!tpu.dma_semaphore, #tpu.memory_space<semaphore_mem>> -> memref<!tpu.dma_semaphore, #tpu.memory_space<semaphore_mem>>
          %dma_wait3A_382 = arith.constant 64 : i32
          %dma_wait3A_383 = tpu.memref_slice %arg8[%mul3A_355, %dma_wait3A_372, %div3A_350, %dma_wait3A_382] : memref<1024x1x200x96xf32, #tpu.memory_space<hbm>> -> memref<128x1x1x16xf32, #tpu.memory_space<hbm>>
          %dma_wait3A_384 = tpu.memref_squeeze %dma_wait3A_383 : memref<128x1x1x16xf32, #tpu.memory_space<hbm>> -> memref<128x16xf32, #tpu.memory_space<hbm>>
          %dma_wait3A_385 = arith.constant 384 : i32
          %dma_wait3A_386 = arith.constant 0 : i32
          %dma_wait3A_387 = tpu.memref_slice %arg13[%dma_wait3A_385, %dma_wait3A_386] : memref<512x16xf32, #tpu.memory_space<vmem>> -> memref<128x16xf32, #tpu.memory_space<vmem>>
          tpu.wait_dma2 semaphore(%dma_wait3A_381 : memref<!tpu.dma_semaphore, #tpu.memory_space<semaphore_mem>>) src(%dma_wait3A_387 : memref<128x16xf32, #tpu.memory_space<vmem>>) dst(%dma_wait3A_384 : memref<128x16xf32, #tpu.memory_space<hbm>>)
          %dma_wait3A_388 = arith.constant 0 : i32
          %dma_wait3A_389 = arith.constant 3 : i32
          %dma_wait3A_390 = arith.constant 384 : i32
          %dma_wait3A_391 = arith.constant 0 : i32
          %dma_wait3A_392 = tpu.memref_slice %arg14[%dma_wait3A_390, %dma_wait3A_391] : memref<512x16xf32, #tpu.memory_space<vmem>> -> memref<128x16xf32, #tpu.memory_space<vmem>>
          %dma_wait3A_393 = arith.constant 80 : i32
          %dma_wait3A_394 = tpu.memref_slice %arg8[%mul3A_355, %dma_wait3A_388, %div3A_350, %dma_wait3A_393] : memref<1024x1x200x96xf32, #tpu.memory_space<hbm>> -> memref<128x1x1x16xf32, #tpu.memory_space<hbm>>
          %dma_wait3A_395 = tpu.memref_squeeze %dma_wait3A_394 : memref<128x1x1x16xf32, #tpu.memory_space<hbm>> -> memref<128x16xf32, #tpu.memory_space<hbm>>
          %dma_wait3A_396 = tpu.memref_slice %arg16[%dma_wait3A_389] : memref<4x!tpu.dma_semaphore, #tpu.memory_space<semaphore_mem>> -> memref<1x!tpu.dma_semaphore, #tpu.memory_space<semaphore_mem>>
          %dma_wait3A_397 = tpu.memref_squeeze %dma_wait3A_396 : memref<1x!tpu.dma_semaphore, #tpu.memory_space<semaphore_mem>> -> memref<!tpu.dma_semaphore, #tpu.memory_space<semaphore_mem>>
          %dma_wait3A_398 = arith.constant 80 : i32
          %dma_wait3A_399 = tpu.memref_slice %arg8[%mul3A_355, %dma_wait3A_388, %div3A_350, %dma_wait3A_398] : memref<1024x1x200x96xf32, #tpu.memory_space<hbm>> -> memref<128x1x1x16xf32, #tpu.memory_space<hbm>>
          %dma_wait3A_400 = tpu.memref_squeeze %dma_wait3A_399 : memref<128x1x1x16xf32, #tpu.memory_space<hbm>> -> memref<128x16xf32, #tpu.memory_space<hbm>>
          %dma_wait3A_401 = arith.constant 384 : i32
          %dma_wait3A_402 = arith.constant 0 : i32
          %dma_wait3A_403 = tpu.memref_slice %arg14[%dma_wait3A_401, %dma_wait3A_402] : memref<512x16xf32, #tpu.memory_space<vmem>> -> memref<128x16xf32, #tpu.memory_space<vmem>>
          tpu.wait_dma2 semaphore(%dma_wait3A_397 : memref<!tpu.dma_semaphore, #tpu.memory_space<semaphore_mem>>) src(%dma_wait3A_403 : memref<128x16xf32, #tpu.memory_space<vmem>>) dst(%dma_wait3A_400 : memref<128x16xf32, #tpu.memory_space<hbm>>)
        } else {
        }
        %add3A_306 = arith.addi %mul3A_2, %add3A_285 : i32
        %div3A_307 = arith.constant 8 : i32
        %div3A_308 = arith.divsi %add3A_306, %div3A_307 : i32
        %sub3A_309 = arith.subi %div3A_308, %div3A_3 : i32
        %rem3A_310 = arith.constant 8 : i32
        %rem3A_311 = arith.remsi %add3A_306, %rem3A_310 : i32
        %mul3A_312 = arith.constant 128 : i32
        %mul3A_313 = arith.muli %rem3A_311, %mul3A_312 : i32
        %dma_start3A = arith.constant 3 : i32
        %dma_start3A_314 = arith.constant 384 : i32
        %dma_start3A_315 = arith.constant 0 : i32
        %dma_start3A_316 = tpu.memref_slice %arg12[%dma_start3A_314, %dma_start3A_315] : memref<512x128xf32, #tpu.memory_space<vmem>> -> memref<128x128xf32, #tpu.memory_space<vmem>>
        %dma_start3A_317 = tpu.memref_slice %arg9[%sub3A_309, %mul3A_313] : memref<7x1024xi32, #tpu.memory_space<vmem>> -> memref<1x128xi32, #tpu.memory_space<vmem>>
        %dma_start3A_318 = tpu.memref_squeeze %dma_start3A_317 : memref<1x128xi32, #tpu.memory_space<vmem>> -> memref<128xi32, #tpu.memory_space<vmem>>
        %dma_start3A_319 = arith.constant 0 : i32
        %dma_start3A_320 = arith.constant 0 : i32
        %dma_start3A_321 = tpu.memref_slice %arg5[%dma_start3A_319, %dma_start3A_320] : memref<1000000x128xf32, #tpu.memory_space<hbm>> -> memref<1000000x128xf32, #tpu.memory_space<hbm>>
        %dma_start3A_322 = tpu.memref_slice %arg15[%dma_start3A] : memref<4x!tpu.dma_semaphore, #tpu.memory_space<semaphore_mem>> -> memref<1x!tpu.dma_semaphore, #tpu.memory_space<semaphore_mem>>
        %dma_start3A_323 = tpu.memref_squeeze %dma_start3A_322 : memref<1x!tpu.dma_semaphore, #tpu.memory_space<semaphore_mem>> -> memref<!tpu.dma_semaphore, #tpu.memory_space<semaphore_mem>>
        tpu.enqueue_indirect_dma source(%dma_start3A_321 : memref<1000000x128xf32, #tpu.memory_space<hbm>>) target(%dma_start3A_316 : memref<128x128xf32, #tpu.memory_space<vmem>>) offsets(%dma_start3A_318 : memref<128xi32, #tpu.memory_space<vmem>>) semaphore(%dma_start3A_323 : memref<!tpu.dma_semaphore, #tpu.memory_space<semaphore_mem>>)
        %dma_start3A_324 = arith.constant 3 : i32
        %dma_start3A_325 = arith.constant 384 : i32
        %dma_start3A_326 = arith.constant 0 : i32
        %dma_start3A_327 = tpu.memref_slice %arg13[%dma_start3A_325, %dma_start3A_326] : memref<512x16xf32, #tpu.memory_space<vmem>> -> memref<128x16xf32, #tpu.memory_space<vmem>>
        %dma_start3A_328 = tpu.memref_slice %arg10[%sub3A_309, %mul3A_313] : memref<7x1024xi32, #tpu.memory_space<vmem>> -> memref<1x128xi32, #tpu.memory_space<vmem>>
        %dma_start3A_329 = tpu.memref_squeeze %dma_start3A_328 : memref<1x128xi32, #tpu.memory_space<vmem>> -> memref<128xi32, #tpu.memory_space<vmem>>
        %dma_start3A_330 = arith.constant 0 : i32
        %dma_start3A_331 = arith.constant 0 : i32
        %dma_start3A_332 = tpu.memref_slice %arg6[%dma_start3A_330, %dma_start3A_331] : memref<512x16xf32, #tpu.memory_space<hbm>> -> memref<512x16xf32, #tpu.memory_space<hbm>>
        %dma_start3A_333 = tpu.memref_slice %arg15[%dma_start3A_324] : memref<4x!tpu.dma_semaphore, #tpu.memory_space<semaphore_mem>> -> memref<1x!tpu.dma_semaphore, #tpu.memory_space<semaphore_mem>>
        %dma_start3A_334 = tpu.memref_squeeze %dma_start3A_333 : memref<1x!tpu.dma_semaphore, #tpu.memory_space<semaphore_mem>> -> memref<!tpu.dma_semaphore, #tpu.memory_space<semaphore_mem>>
        tpu.enqueue_indirect_dma source(%dma_start3A_332 : memref<512x16xf32, #tpu.memory_space<hbm>>) target(%dma_start3A_327 : memref<128x16xf32, #tpu.memory_space<vmem>>) offsets(%dma_start3A_329 : memref<128xi32, #tpu.memory_space<vmem>>) semaphore(%dma_start3A_334 : memref<!tpu.dma_semaphore, #tpu.memory_space<semaphore_mem>>)
        %dma_start3A_335 = arith.constant 3 : i32
        %dma_start3A_336 = arith.constant 384 : i32
        %dma_start3A_337 = arith.constant 0 : i32
        %dma_start3A_338 = tpu.memref_slice %arg14[%dma_start3A_336, %dma_start3A_337] : memref<512x16xf32, #tpu.memory_space<vmem>> -> memref<128x16xf32, #tpu.memory_space<vmem>>
        %dma_start3A_339 = tpu.memref_slice %arg11[%sub3A_309, %mul3A_313] : memref<7x1024xi32, #tpu.memory_space<vmem>> -> memref<1x128xi32, #tpu.memory_space<vmem>>
        %dma_start3A_340 = tpu.memref_squeeze %dma_start3A_339 : memref<1x128xi32, #tpu.memory_space<vmem>> -> memref<128xi32, #tpu.memory_space<vmem>>
        %dma_start3A_341 = arith.constant 0 : i32
        %dma_start3A_342 = arith.constant 0 : i32
        %dma_start3A_343 = tpu.memref_slice %arg7[%dma_start3A_341, %dma_start3A_342] : memref<512x16xf32, #tpu.memory_space<hbm>> -> memref<512x16xf32, #tpu.memory_space<hbm>>
        %dma_start3A_344 = tpu.memref_slice %arg15[%dma_start3A_335] : memref<4x!tpu.dma_semaphore, #tpu.memory_space<semaphore_mem>> -> memref<1x!tpu.dma_semaphore, #tpu.memory_space<semaphore_mem>>
        %dma_start3A_345 = tpu.memref_squeeze %dma_start3A_344 : memref<1x!tpu.dma_semaphore, #tpu.memory_space<semaphore_mem>> -> memref<!tpu.dma_semaphore, #tpu.memory_space<semaphore_mem>>
        tpu.enqueue_indirect_dma source(%dma_start3A_343 : memref<512x16xf32, #tpu.memory_space<hbm>>) target(%dma_start3A_338 : memref<128x16xf32, #tpu.memory_space<vmem>>) offsets(%dma_start3A_340 : memref<128xi32, #tpu.memory_space<vmem>>) semaphore(%dma_start3A_345 : memref<!tpu.dma_semaphore, #tpu.memory_space<semaphore_mem>>)
      } else {
      }
    }
    %scan3A_7 = arith.constant 13 : i32
    %add3A_8 = arith.constant 46 : i32
    %add3A_9 = arith.addi %mul3A_2, %add3A_8 : i32
    %div3A_10 = arith.constant 8 : i32
    %div3A_11 = arith.divsi %add3A_9, %div3A_10 : i32
    %sub3A = arith.subi %div3A_11, %div3A_3 : i32
    %rem3A = arith.constant 8 : i32
    %rem3A_12 = arith.remsi %add3A_9, %rem3A : i32
    %mul3A_13 = arith.constant 128 : i32
    %mul3A_14 = arith.muli %rem3A_12, %mul3A_13 : i32
    %dma_wait3A = arith.constant 0 : i32
    %dma_wait3A_15 = arith.constant 2 : i32
    %dma_wait3A_16 = arith.constant 256 : i32
    %dma_wait3A_17 = arith.constant 0 : i32
    %dma_wait3A_18 = tpu.memref_slice %arg12[%dma_wait3A_16, %dma_wait3A_17] : memref<512x128xf32, #tpu.memory_space<vmem>> -> memref<128x64xf32, #tpu.memory_space<vmem>>
    %dma_wait3A_19 = arith.constant 0 : i32
    %dma_wait3A_20 = tpu.memref_slice %arg8[%mul3A_14, %dma_wait3A, %div3A_11, %dma_wait3A_19] : memref<1024x1x200x96xf32, #tpu.memory_space<hbm>> -> memref<128x1x1x64xf32, #tpu.memory_space<hbm>>
    %dma_wait3A_21 = tpu.memref_squeeze %dma_wait3A_20 : memref<128x1x1x64xf32, #tpu.memory_space<hbm>> -> memref<128x64xf32, #tpu.memory_space<hbm>>
    %dma_wait3A_22 = tpu.memref_slice %arg16[%dma_wait3A_15] : memref<4x!tpu.dma_semaphore, #tpu.memory_space<semaphore_mem>> -> memref<1x!tpu.dma_semaphore, #tpu.memory_space<semaphore_mem>>
    %dma_wait3A_23 = tpu.memref_squeeze %dma_wait3A_22 : memref<1x!tpu.dma_semaphore, #tpu.memory_space<semaphore_mem>> -> memref<!tpu.dma_semaphore, #tpu.memory_space<semaphore_mem>>
    %dma_wait3A_24 = arith.constant 0 : i32
    %dma_wait3A_25 = tpu.memref_slice %arg8[%mul3A_14, %dma_wait3A, %div3A_11, %dma_wait3A_24] : memref<1024x1x200x96xf32, #tpu.memory_space<hbm>> -> memref<128x1x1x64xf32, #tpu.memory_space<hbm>>
    %dma_wait3A_26 = tpu.memref_squeeze %dma_wait3A_25 : memref<128x1x1x64xf32, #tpu.memory_space<hbm>> -> memref<128x64xf32, #tpu.memory_space<hbm>>
    %dma_wait3A_27 = arith.constant 256 : i32
    %dma_wait3A_28 = arith.constant 0 : i32
    %dma_wait3A_29 = tpu.memref_slice %arg12[%dma_wait3A_27, %dma_wait3A_28] : memref<512x128xf32, #tpu.memory_space<vmem>> -> memref<128x64xf32, #tpu.memory_space<vmem>>
    tpu.wait_dma2 semaphore(%dma_wait3A_23 : memref<!tpu.dma_semaphore, #tpu.memory_space<semaphore_mem>>) src(%dma_wait3A_29 : memref<128x64xf32, #tpu.memory_space<vmem>>) dst(%dma_wait3A_26 : memref<128x64xf32, #tpu.memory_space<hbm>>)
    %dma_wait3A_30 = arith.constant 0 : i32
    %dma_wait3A_31 = arith.constant 2 : i32
    %dma_wait3A_32 = arith.constant 256 : i32
    %dma_wait3A_33 = arith.constant 0 : i32
    %dma_wait3A_34 = tpu.memref_slice %arg13[%dma_wait3A_32, %dma_wait3A_33] : memref<512x16xf32, #tpu.memory_space<vmem>> -> memref<128x16xf32, #tpu.memory_space<vmem>>
    %dma_wait3A_35 = arith.constant 64 : i32
    %dma_wait3A_36 = tpu.memref_slice %arg8[%mul3A_14, %dma_wait3A_30, %div3A_11, %dma_wait3A_35] : memref<1024x1x200x96xf32, #tpu.memory_space<hbm>> -> memref<128x1x1x16xf32, #tpu.memory_space<hbm>>
    %dma_wait3A_37 = tpu.memref_squeeze %dma_wait3A_36 : memref<128x1x1x16xf32, #tpu.memory_space<hbm>> -> memref<128x16xf32, #tpu.memory_space<hbm>>
    %dma_wait3A_38 = tpu.memref_slice %arg16[%dma_wait3A_31] : memref<4x!tpu.dma_semaphore, #tpu.memory_space<semaphore_mem>> -> memref<1x!tpu.dma_semaphore, #tpu.memory_space<semaphore_mem>>
    %dma_wait3A_39 = tpu.memref_squeeze %dma_wait3A_38 : memref<1x!tpu.dma_semaphore, #tpu.memory_space<semaphore_mem>> -> memref<!tpu.dma_semaphore, #tpu.memory_space<semaphore_mem>>
    %dma_wait3A_40 = arith.constant 64 : i32
    %dma_wait3A_41 = tpu.memref_slice %arg8[%mul3A_14, %dma_wait3A_30, %div3A_11, %dma_wait3A_40] : memref<1024x1x200x96xf32, #tpu.memory_space<hbm>> -> memref<128x1x1x16xf32, #tpu.memory_space<hbm>>
    %dma_wait3A_42 = tpu.memref_squeeze %dma_wait3A_41 : memref<128x1x1x16xf32, #tpu.memory_space<hbm>> -> memref<128x16xf32, #tpu.memory_space<hbm>>
    %dma_wait3A_43 = arith.constant 256 : i32
    %dma_wait3A_44 = arith.constant 0 : i32
    %dma_wait3A_45 = tpu.memref_slice %arg13[%dma_wait3A_43, %dma_wait3A_44] : memref<512x16xf32, #tpu.memory_space<vmem>> -> memref<128x16xf32, #tpu.memory_space<vmem>>
    tpu.wait_dma2 semaphore(%dma_wait3A_39 : memref<!tpu.dma_semaphore, #tpu.memory_space<semaphore_mem>>) src(%dma_wait3A_45 : memref<128x16xf32, #tpu.memory_space<vmem>>) dst(%dma_wait3A_42 : memref<128x16xf32, #tpu.memory_space<hbm>>)
    %dma_wait3A_46 = arith.constant 0 : i32
    %dma_wait3A_47 = arith.constant 2 : i32
    %dma_wait3A_48 = arith.constant 256 : i32
    %dma_wait3A_49 = arith.constant 0 : i32
    %dma_wait3A_50 = tpu.memref_slice %arg14[%dma_wait3A_48, %dma_wait3A_49] : memref<512x16xf32, #tpu.memory_space<vmem>> -> memref<128x16xf32, #tpu.memory_space<vmem>>
    %dma_wait3A_51 = arith.constant 80 : i32
    %dma_wait3A_52 = tpu.memref_slice %arg8[%mul3A_14, %dma_wait3A_46, %div3A_11, %dma_wait3A_51] : memref<1024x1x200x96xf32, #tpu.memory_space<hbm>> -> memref<128x1x1x16xf32, #tpu.memory_space<hbm>>
    %dma_wait3A_53 = tpu.memref_squeeze %dma_wait3A_52 : memref<128x1x1x16xf32, #tpu.memory_space<hbm>> -> memref<128x16xf32, #tpu.memory_space<hbm>>
    %dma_wait3A_54 = tpu.memref_slice %arg16[%dma_wait3A_47] : memref<4x!tpu.dma_semaphore, #tpu.memory_space<semaphore_mem>> -> memref<1x!tpu.dma_semaphore, #tpu.memory_space<semaphore_mem>>
    %dma_wait3A_55 = tpu.memref_squeeze %dma_wait3A_54 : memref<1x!tpu.dma_semaphore, #tpu.memory_space<semaphore_mem>> -> memref<!tpu.dma_semaphore, #tpu.memory_space<semaphore_mem>>
    %dma_wait3A_56 = arith.constant 80 : i32
    %dma_wait3A_57 = tpu.memref_slice %arg8[%mul3A_14, %dma_wait3A_46, %div3A_11, %dma_wait3A_56] : memref<1024x1x200x96xf32, #tpu.memory_space<hbm>> -> memref<128x1x1x16xf32, #tpu.memory_space<hbm>>
    %dma_wait3A_58 = tpu.memref_squeeze %dma_wait3A_57 : memref<128x1x1x16xf32, #tpu.memory_space<hbm>> -> memref<128x16xf32, #tpu.memory_space<hbm>>
    %dma_wait3A_59 = arith.constant 256 : i32
    %dma_wait3A_60 = arith.constant 0 : i32
    %dma_wait3A_61 = tpu.memref_slice %arg14[%dma_wait3A_59, %dma_wait3A_60] : memref<512x16xf32, #tpu.memory_space<vmem>> -> memref<128x16xf32, #tpu.memory_space<vmem>>
    tpu.wait_dma2 semaphore(%dma_wait3A_55 : memref<!tpu.dma_semaphore, #tpu.memory_space<semaphore_mem>>) src(%dma_wait3A_61 : memref<128x16xf32, #tpu.memory_space<vmem>>) dst(%dma_wait3A_58 : memref<128x16xf32, #tpu.memory_space<hbm>>)
    %add3A_62 = arith.constant 47 : i32
    %add3A_63 = arith.addi %mul3A_2, %add3A_62 : i32
    %div3A_64 = arith.constant 8 : i32
    %div3A_65 = arith.divsi %add3A_63, %div3A_64 : i32
    %sub3A_66 = arith.subi %div3A_65, %div3A_3 : i32
    %rem3A_67 = arith.constant 8 : i32
    %rem3A_68 = arith.remsi %add3A_63, %rem3A_67 : i32
    %mul3A_69 = arith.constant 128 : i32
    %mul3A_70 = arith.muli %rem3A_68, %mul3A_69 : i32
    %dma_wait3A_71 = arith.constant 0 : i32
    %dma_wait3A_72 = arith.constant 3 : i32
    %dma_wait3A_73 = arith.constant 384 : i32
    %dma_wait3A_74 = arith.constant 0 : i32
    %dma_wait3A_75 = tpu.memref_slice %arg12[%dma_wait3A_73, %dma_wait3A_74] : memref<512x128xf32, #tpu.memory_space<vmem>> -> memref<128x64xf32, #tpu.memory_space<vmem>>
    %dma_wait3A_76 = arith.constant 0 : i32
    %dma_wait3A_77 = tpu.memref_slice %arg8[%mul3A_70, %dma_wait3A_71, %div3A_65, %dma_wait3A_76] : memref<1024x1x200x96xf32, #tpu.memory_space<hbm>> -> memref<128x1x1x64xf32, #tpu.memory_space<hbm>>
    %dma_wait3A_78 = tpu.memref_squeeze %dma_wait3A_77 : memref<128x1x1x64xf32, #tpu.memory_space<hbm>> -> memref<128x64xf32, #tpu.memory_space<hbm>>
    %dma_wait3A_79 = tpu.memref_slice %arg16[%dma_wait3A_72] : memref<4x!tpu.dma_semaphore, #tpu.memory_space<semaphore_mem>> -> memref<1x!tpu.dma_semaphore, #tpu.memory_space<semaphore_mem>>
    %dma_wait3A_80 = tpu.memref_squeeze %dma_wait3A_79 : memref<1x!tpu.dma_semaphore, #tpu.memory_space<semaphore_mem>> -> memref<!tpu.dma_semaphore, #tpu.memory_space<semaphore_mem>>
    %dma_wait3A_81 = arith.constant 0 : i32
    %dma_wait3A_82 = tpu.memref_slice %arg8[%mul3A_70, %dma_wait3A_71, %div3A_65, %dma_wait3A_81] : memref<1024x1x200x96xf32, #tpu.memory_space<hbm>> -> memref<128x1x1x64xf32, #tpu.memory_space<hbm>>
    %dma_wait3A_83 = tpu.memref_squeeze %dma_wait3A_82 : memref<128x1x1x64xf32, #tpu.memory_space<hbm>> -> memref<128x64xf32, #tpu.memory_space<hbm>>
    %dma_wait3A_84 = arith.constant 384 : i32
    %dma_wait3A_85 = arith.constant 0 : i32
    %dma_wait3A_86 = tpu.memref_slice %arg12[%dma_wait3A_84, %dma_wait3A_85] : memref<512x128xf32, #tpu.memory_space<vmem>> -> memref<128x64xf32, #tpu.memory_space<vmem>>
    tpu.wait_dma2 semaphore(%dma_wait3A_80 : memref<!tpu.dma_semaphore, #tpu.memory_space<semaphore_mem>>) src(%dma_wait3A_86 : memref<128x64xf32, #tpu.memory_space<vmem>>) dst(%dma_wait3A_83 : memref<128x64xf32, #tpu.memory_space<hbm>>)
    %dma_wait3A_87 = arith.constant 0 : i32
    %dma_wait3A_88 = arith.constant 3 : i32
    %dma_wait3A_89 = arith.constant 384 : i32
    %dma_wait3A_90 = arith.constant 0 : i32
    %dma_wait3A_91 = tpu.memref_slice %arg13[%dma_wait3A_89, %dma_wait3A_90] : memref<512x16xf32, #tpu.memory_space<vmem>> -> memref<128x16xf32, #tpu.memory_space<vmem>>
    %dma_wait3A_92 = arith.constant 64 : i32
    %dma_wait3A_93 = tpu.memref_slice %arg8[%mul3A_70, %dma_wait3A_87, %div3A_65, %dma_wait3A_92] : memref<1024x1x200x96xf32, #tpu.memory_space<hbm>> -> memref<128x1x1x16xf32, #tpu.memory_space<hbm>>
    %dma_wait3A_94 = tpu.memref_squeeze %dma_wait3A_93 : memref<128x1x1x16xf32, #tpu.memory_space<hbm>> -> memref<128x16xf32, #tpu.memory_space<hbm>>
    %dma_wait3A_95 = tpu.memref_slice %arg16[%dma_wait3A_88] : memref<4x!tpu.dma_semaphore, #tpu.memory_space<semaphore_mem>> -> memref<1x!tpu.dma_semaphore, #tpu.memory_space<semaphore_mem>>
    %dma_wait3A_96 = tpu.memref_squeeze %dma_wait3A_95 : memref<1x!tpu.dma_semaphore, #tpu.memory_space<semaphore_mem>> -> memref<!tpu.dma_semaphore, #tpu.memory_space<semaphore_mem>>
    %dma_wait3A_97 = arith.constant 64 : i32
    %dma_wait3A_98 = tpu.memref_slice %arg8[%mul3A_70, %dma_wait3A_87, %div3A_65, %dma_wait3A_97] : memref<1024x1x200x96xf32, #tpu.memory_space<hbm>> -> memref<128x1x1x16xf32, #tpu.memory_space<hbm>>
    %dma_wait3A_99 = tpu.memref_squeeze %dma_wait3A_98 : memref<128x1x1x16xf32, #tpu.memory_space<hbm>> -> memref<128x16xf32, #tpu.memory_space<hbm>>
    %dma_wait3A_100 = arith.constant 384 : i32
    %dma_wait3A_101 = arith.constant 0 : i32
    %dma_wait3A_102 = tpu.memref_slice %arg13[%dma_wait3A_100, %dma_wait3A_101] : memref<512x16xf32, #tpu.memory_space<vmem>> -> memref<128x16xf32, #tpu.memory_space<vmem>>
    tpu.wait_dma2 semaphore(%dma_wait3A_96 : memref<!tpu.dma_semaphore, #tpu.memory_space<semaphore_mem>>) src(%dma_wait3A_102 : memref<128x16xf32, #tpu.memory_space<vmem>>) dst(%dma_wait3A_99 : memref<128x16xf32, #tpu.memory_space<hbm>>)
    %dma_wait3A_103 = arith.constant 0 : i32
    %dma_wait3A_104 = arith.constant 3 : i32
    %dma_wait3A_105 = arith.constant 384 : i32
    %dma_wait3A_106 = arith.constant 0 : i32
    %dma_wait3A_107 = tpu.memref_slice %arg14[%dma_wait3A_105, %dma_wait3A_106] : memref<512x16xf32, #tpu.memory_space<vmem>> -> memref<128x16xf32, #tpu.memory_space<vmem>>
    %dma_wait3A_108 = arith.constant 80 : i32
    %dma_wait3A_109 = tpu.memref_slice %arg8[%mul3A_70, %dma_wait3A_103, %div3A_65, %dma_wait3A_108] : memref<1024x1x200x96xf32, #tpu.memory_space<hbm>> -> memref<128x1x1x16xf32, #tpu.memory_space<hbm>>
    %dma_wait3A_110 = tpu.memref_squeeze %dma_wait3A_109 : memref<128x1x1x16xf32, #tpu.memory_space<hbm>> -> memref<128x16xf32, #tpu.memory_space<hbm>>
    %dma_wait3A_111 = tpu.memref_slice %arg16[%dma_wait3A_104] : memref<4x!tpu.dma_semaphore, #tpu.memory_space<semaphore_mem>> -> memref<1x!tpu.dma_semaphore, #tpu.memory_space<semaphore_mem>>
    %dma_wait3A_112 = tpu.memref_squeeze %dma_wait3A_111 : memref<1x!tpu.dma_semaphore, #tpu.memory_space<semaphore_mem>> -> memref<!tpu.dma_semaphore, #tpu.memory_space<semaphore_mem>>
    %dma_wait3A_113 = arith.constant 80 : i32
    %dma_wait3A_114 = tpu.memref_slice %arg8[%mul3A_70, %dma_wait3A_103, %div3A_65, %dma_wait3A_113] : memref<1024x1x200x96xf32, #tpu.memory_space<hbm>> -> memref<128x1x1x16xf32, #tpu.memory_space<hbm>>
    %dma_wait3A_115 = tpu.memref_squeeze %dma_wait3A_114 : memref<128x1x1x16xf32, #tpu.memory_space<hbm>> -> memref<128x16xf32, #tpu.memory_space<hbm>>
    %dma_wait3A_116 = arith.constant 384 : i32
    %dma_wait3A_117 = arith.constant 0 : i32
    %dma_wait3A_118 = tpu.memref_slice %arg14[%dma_wait3A_116, %dma_wait3A_117] : memref<512x16xf32, #tpu.memory_space<vmem>> -> memref<128x16xf32, #tpu.memory_space<vmem>>
    tpu.wait_dma2 semaphore(%dma_wait3A_112 : memref<!tpu.dma_semaphore, #tpu.memory_space<semaphore_mem>>) src(%dma_wait3A_118 : memref<128x16xf32, #tpu.memory_space<vmem>>) dst(%dma_wait3A_115 : memref<128x16xf32, #tpu.memory_space<hbm>>)
    %add3A_119 = arith.constant 48 : i32
    %add3A_120 = arith.addi %mul3A_2, %add3A_119 : i32
    %div3A_121 = arith.constant 8 : i32
    %div3A_122 = arith.divsi %add3A_120, %div3A_121 : i32
    %sub3A_123 = arith.subi %div3A_122, %div3A_3 : i32
    %rem3A_124 = arith.constant 8 : i32
    %rem3A_125 = arith.remsi %add3A_120, %rem3A_124 : i32
    %mul3A_126 = arith.constant 128 : i32
    %mul3A_127 = arith.muli %rem3A_125, %mul3A_126 : i32
    %dma_wait3A_128 = arith.constant 0 : i32
    %dma_wait3A_129 = arith.constant 0 : i32
    %dma_wait3A_130 = arith.constant 0 : i32
    %dma_wait3A_131 = arith.constant 0 : i32
    %dma_wait3A_132 = tpu.memref_slice %arg12[%dma_wait3A_130, %dma_wait3A_131] : memref<512x128xf32, #tpu.memory_space<vmem>> -> memref<128x64xf32, #tpu.memory_space<vmem>>
    %dma_wait3A_133 = arith.constant 0 : i32
    %dma_wait3A_134 = tpu.memref_slice %arg8[%mul3A_127, %dma_wait3A_128, %div3A_122, %dma_wait3A_133] : memref<1024x1x200x96xf32, #tpu.memory_space<hbm>> -> memref<128x1x1x64xf32, #tpu.memory_space<hbm>>
    %dma_wait3A_135 = tpu.memref_squeeze %dma_wait3A_134 : memref<128x1x1x64xf32, #tpu.memory_space<hbm>> -> memref<128x64xf32, #tpu.memory_space<hbm>>
    %dma_wait3A_136 = tpu.memref_slice %arg16[%dma_wait3A_129] : memref<4x!tpu.dma_semaphore, #tpu.memory_space<semaphore_mem>> -> memref<1x!tpu.dma_semaphore, #tpu.memory_space<semaphore_mem>>
    %dma_wait3A_137 = tpu.memref_squeeze %dma_wait3A_136 : memref<1x!tpu.dma_semaphore, #tpu.memory_space<semaphore_mem>> -> memref<!tpu.dma_semaphore, #tpu.memory_space<semaphore_mem>>
    %dma_wait3A_138 = arith.constant 0 : i32
    %dma_wait3A_139 = tpu.memref_slice %arg8[%mul3A_127, %dma_wait3A_128, %div3A_122, %dma_wait3A_138] : memref<1024x1x200x96xf32, #tpu.memory_space<hbm>> -> memref<128x1x1x64xf32, #tpu.memory_space<hbm>>
    %dma_wait3A_140 = tpu.memref_squeeze %dma_wait3A_139 : memref<128x1x1x64xf32, #tpu.memory_space<hbm>> -> memref<128x64xf32, #tpu.memory_space<hbm>>
    %dma_wait3A_141 = arith.constant 0 : i32
    %dma_wait3A_142 = arith.constant 0 : i32
    %dma_wait3A_143 = tpu.memref_slice %arg12[%dma_wait3A_141, %dma_wait3A_142] : memref<512x128xf32, #tpu.memory_space<vmem>> -> memref<128x64xf32, #tpu.memory_space<vmem>>
    tpu.wait_dma2 semaphore(%dma_wait3A_137 : memref<!tpu.dma_semaphore, #tpu.memory_space<semaphore_mem>>) src(%dma_wait3A_143 : memref<128x64xf32, #tpu.memory_space<vmem>>) dst(%dma_wait3A_140 : memref<128x64xf32, #tpu.memory_space<hbm>>)
    %dma_wait3A_144 = arith.constant 0 : i32
    %dma_wait3A_145 = arith.constant 0 : i32
    %dma_wait3A_146 = arith.constant 0 : i32
    %dma_wait3A_147 = arith.constant 0 : i32
    %dma_wait3A_148 = tpu.memref_slice %arg13[%dma_wait3A_146, %dma_wait3A_147] : memref<512x16xf32, #tpu.memory_space<vmem>> -> memref<128x16xf32, #tpu.memory_space<vmem>>
    %dma_wait3A_149 = arith.constant 64 : i32
    %dma_wait3A_150 = tpu.memref_slice %arg8[%mul3A_127, %dma_wait3A_144, %div3A_122, %dma_wait3A_149] : memref<1024x1x200x96xf32, #tpu.memory_space<hbm>> -> memref<128x1x1x16xf32, #tpu.memory_space<hbm>>
    %dma_wait3A_151 = tpu.memref_squeeze %dma_wait3A_150 : memref<128x1x1x16xf32, #tpu.memory_space<hbm>> -> memref<128x16xf32, #tpu.memory_space<hbm>>
    %dma_wait3A_152 = tpu.memref_slice %arg16[%dma_wait3A_145] : memref<4x!tpu.dma_semaphore, #tpu.memory_space<semaphore_mem>> -> memref<1x!tpu.dma_semaphore, #tpu.memory_space<semaphore_mem>>
    %dma_wait3A_153 = tpu.memref_squeeze %dma_wait3A_152 : memref<1x!tpu.dma_semaphore, #tpu.memory_space<semaphore_mem>> -> memref<!tpu.dma_semaphore, #tpu.memory_space<semaphore_mem>>
    %dma_wait3A_154 = arith.constant 64 : i32
    %dma_wait3A_155 = tpu.memref_slice %arg8[%mul3A_127, %dma_wait3A_144, %div3A_122, %dma_wait3A_154] : memref<1024x1x200x96xf32, #tpu.memory_space<hbm>> -> memref<128x1x1x16xf32, #tpu.memory_space<hbm>>
    %dma_wait3A_156 = tpu.memref_squeeze %dma_wait3A_155 : memref<128x1x1x16xf32, #tpu.memory_space<hbm>> -> memref<128x16xf32, #tpu.memory_space<hbm>>
    %dma_wait3A_157 = arith.constant 0 : i32
    %dma_wait3A_158 = arith.constant 0 : i32
    %dma_wait3A_159 = tpu.memref_slice %arg13[%dma_wait3A_157, %dma_wait3A_158] : memref<512x16xf32, #tpu.memory_space<vmem>> -> memref<128x16xf32, #tpu.memory_space<vmem>>
    tpu.wait_dma2 semaphore(%dma_wait3A_153 : memref<!tpu.dma_semaphore, #tpu.memory_space<semaphore_mem>>) src(%dma_wait3A_159 : memref<128x16xf32, #tpu.memory_space<vmem>>) dst(%dma_wait3A_156 : memref<128x16xf32, #tpu.memory_space<hbm>>)
    %dma_wait3A_160 = arith.constant 0 : i32
    %dma_wait3A_161 = arith.constant 0 : i32
    %dma_wait3A_162 = arith.constant 0 : i32
    %dma_wait3A_163 = arith.constant 0 : i32
    %dma_wait3A_164 = tpu.memref_slice %arg14[%dma_wait3A_162, %dma_wait3A_163] : memref<512x16xf32, #tpu.memory_space<vmem>> -> memref<128x16xf32, #tpu.memory_space<vmem>>
    %dma_wait3A_165 = arith.constant 80 : i32
    %dma_wait3A_166 = tpu.memref_slice %arg8[%mul3A_127, %dma_wait3A_160, %div3A_122, %dma_wait3A_165] : memref<1024x1x200x96xf32, #tpu.memory_space<hbm>> -> memref<128x1x1x16xf32, #tpu.memory_space<hbm>>
    %dma_wait3A_167 = tpu.memref_squeeze %dma_wait3A_166 : memref<128x1x1x16xf32, #tpu.memory_space<hbm>> -> memref<128x16xf32, #tpu.memory_space<hbm>>
    %dma_wait3A_168 = tpu.memref_slice %arg16[%dma_wait3A_161] : memref<4x!tpu.dma_semaphore, #tpu.memory_space<semaphore_mem>> -> memref<1x!tpu.dma_semaphore, #tpu.memory_space<semaphore_mem>>
    %dma_wait3A_169 = tpu.memref_squeeze %dma_wait3A_168 : memref<1x!tpu.dma_semaphore, #tpu.memory_space<semaphore_mem>> -> memref<!tpu.dma_semaphore, #tpu.memory_space<semaphore_mem>>
    %dma_wait3A_170 = arith.constant 80 : i32
    %dma_wait3A_171 = tpu.memref_slice %arg8[%mul3A_127, %dma_wait3A_160, %div3A_122, %dma_wait3A_170] : memref<1024x1x200x96xf32, #tpu.memory_space<hbm>> -> memref<128x1x1x16xf32, #tpu.memory_space<hbm>>
    %dma_wait3A_172 = tpu.memref_squeeze %dma_wait3A_171 : memref<128x1x1x16xf32, #tpu.memory_space<hbm>> -> memref<128x16xf32, #tpu.memory_space<hbm>>
    %dma_wait3A_173 = arith.constant 0 : i32
    %dma_wait3A_174 = arith.constant 0 : i32
    %dma_wait3A_175 = tpu.memref_slice %arg14[%dma_wait3A_173, %dma_wait3A_174] : memref<512x16xf32, #tpu.memory_space<vmem>> -> memref<128x16xf32, #tpu.memory_space<vmem>>
    tpu.wait_dma2 semaphore(%dma_wait3A_169 : memref<!tpu.dma_semaphore, #tpu.memory_space<semaphore_mem>>) src(%dma_wait3A_175 : memref<128x16xf32, #tpu.memory_space<vmem>>) dst(%dma_wait3A_172 : memref<128x16xf32, #tpu.memory_space<hbm>>)
    %add3A_176 = arith.constant 49 : i32
    %add3A_177 = arith.addi %mul3A_2, %add3A_176 : i32
    %div3A_178 = arith.constant 8 : i32
    %div3A_179 = arith.divsi %add3A_177, %div3A_178 : i32
    %sub3A_180 = arith.subi %div3A_179, %div3A_3 : i32
    %rem3A_181 = arith.constant 8 : i32
    %rem3A_182 = arith.remsi %add3A_177, %rem3A_181 : i32
    %mul3A_183 = arith.constant 128 : i32
    %mul3A_184 = arith.muli %rem3A_182, %mul3A_183 : i32
    %dma_wait3A_185 = arith.constant 0 : i32
    %dma_wait3A_186 = arith.constant 1 : i32
    %dma_wait3A_187 = arith.constant 128 : i32
    %dma_wait3A_188 = arith.constant 0 : i32
    %dma_wait3A_189 = tpu.memref_slice %arg12[%dma_wait3A_187, %dma_wait3A_188] : memref<512x128xf32, #tpu.memory_space<vmem>> -> memref<128x64xf32, #tpu.memory_space<vmem>>
    %dma_wait3A_190 = arith.constant 0 : i32
    %dma_wait3A_191 = tpu.memref_slice %arg8[%mul3A_184, %dma_wait3A_185, %div3A_179, %dma_wait3A_190] : memref<1024x1x200x96xf32, #tpu.memory_space<hbm>> -> memref<128x1x1x64xf32, #tpu.memory_space<hbm>>
    %dma_wait3A_192 = tpu.memref_squeeze %dma_wait3A_191 : memref<128x1x1x64xf32, #tpu.memory_space<hbm>> -> memref<128x64xf32, #tpu.memory_space<hbm>>
    %dma_wait3A_193 = tpu.memref_slice %arg16[%dma_wait3A_186] : memref<4x!tpu.dma_semaphore, #tpu.memory_space<semaphore_mem>> -> memref<1x!tpu.dma_semaphore, #tpu.memory_space<semaphore_mem>>
    %dma_wait3A_194 = tpu.memref_squeeze %dma_wait3A_193 : memref<1x!tpu.dma_semaphore, #tpu.memory_space<semaphore_mem>> -> memref<!tpu.dma_semaphore, #tpu.memory_space<semaphore_mem>>
    %dma_wait3A_195 = arith.constant 0 : i32
    %dma_wait3A_196 = tpu.memref_slice %arg8[%mul3A_184, %dma_wait3A_185, %div3A_179, %dma_wait3A_195] : memref<1024x1x200x96xf32, #tpu.memory_space<hbm>> -> memref<128x1x1x64xf32, #tpu.memory_space<hbm>>
    %dma_wait3A_197 = tpu.memref_squeeze %dma_wait3A_196 : memref<128x1x1x64xf32, #tpu.memory_space<hbm>> -> memref<128x64xf32, #tpu.memory_space<hbm>>
    %dma_wait3A_198 = arith.constant 128 : i32
    %dma_wait3A_199 = arith.constant 0 : i32
    %dma_wait3A_200 = tpu.memref_slice %arg12[%dma_wait3A_198, %dma_wait3A_199] : memref<512x128xf32, #tpu.memory_space<vmem>> -> memref<128x64xf32, #tpu.memory_space<vmem>>
    tpu.wait_dma2 semaphore(%dma_wait3A_194 : memref<!tpu.dma_semaphore, #tpu.memory_space<semaphore_mem>>) src(%dma_wait3A_200 : memref<128x64xf32, #tpu.memory_space<vmem>>) dst(%dma_wait3A_197 : memref<128x64xf32, #tpu.memory_space<hbm>>)
    %dma_wait3A_201 = arith.constant 0 : i32
    %dma_wait3A_202 = arith.constant 1 : i32
    %dma_wait3A_203 = arith.constant 128 : i32
    %dma_wait3A_204 = arith.constant 0 : i32
    %dma_wait3A_205 = tpu.memref_slice %arg13[%dma_wait3A_203, %dma_wait3A_204] : memref<512x16xf32, #tpu.memory_space<vmem>> -> memref<128x16xf32, #tpu.memory_space<vmem>>
    %dma_wait3A_206 = arith.constant 64 : i32
    %dma_wait3A_207 = tpu.memref_slice %arg8[%mul3A_184, %dma_wait3A_201, %div3A_179, %dma_wait3A_206] : memref<1024x1x200x96xf32, #tpu.memory_space<hbm>> -> memref<128x1x1x16xf32, #tpu.memory_space<hbm>>
    %dma_wait3A_208 = tpu.memref_squeeze %dma_wait3A_207 : memref<128x1x1x16xf32, #tpu.memory_space<hbm>> -> memref<128x16xf32, #tpu.memory_space<hbm>>
    %dma_wait3A_209 = tpu.memref_slice %arg16[%dma_wait3A_202] : memref<4x!tpu.dma_semaphore, #tpu.memory_space<semaphore_mem>> -> memref<1x!tpu.dma_semaphore, #tpu.memory_space<semaphore_mem>>
    %dma_wait3A_210 = tpu.memref_squeeze %dma_wait3A_209 : memref<1x!tpu.dma_semaphore, #tpu.memory_space<semaphore_mem>> -> memref<!tpu.dma_semaphore, #tpu.memory_space<semaphore_mem>>
    %dma_wait3A_211 = arith.constant 64 : i32
    %dma_wait3A_212 = tpu.memref_slice %arg8[%mul3A_184, %dma_wait3A_201, %div3A_179, %dma_wait3A_211] : memref<1024x1x200x96xf32, #tpu.memory_space<hbm>> -> memref<128x1x1x16xf32, #tpu.memory_space<hbm>>
    %dma_wait3A_213 = tpu.memref_squeeze %dma_wait3A_212 : memref<128x1x1x16xf32, #tpu.memory_space<hbm>> -> memref<128x16xf32, #tpu.memory_space<hbm>>
    %dma_wait3A_214 = arith.constant 128 : i32
    %dma_wait3A_215 = arith.constant 0 : i32
    %dma_wait3A_216 = tpu.memref_slice %arg13[%dma_wait3A_214, %dma_wait3A_215] : memref<512x16xf32, #tpu.memory_space<vmem>> -> memref<128x16xf32, #tpu.memory_space<vmem>>
    tpu.wait_dma2 semaphore(%dma_wait3A_210 : memref<!tpu.dma_semaphore, #tpu.memory_space<semaphore_mem>>) src(%dma_wait3A_216 : memref<128x16xf32, #tpu.memory_space<vmem>>) dst(%dma_wait3A_213 : memref<128x16xf32, #tpu.memory_space<hbm>>)
    %dma_wait3A_217 = arith.constant 0 : i32
    %dma_wait3A_218 = arith.constant 1 : i32
    %dma_wait3A_219 = arith.constant 128 : i32
    %dma_wait3A_220 = arith.constant 0 : i32
    %dma_wait3A_221 = tpu.memref_slice %arg14[%dma_wait3A_219, %dma_wait3A_220] : memref<512x16xf32, #tpu.memory_space<vmem>> -> memref<128x16xf32, #tpu.memory_space<vmem>>
    %dma_wait3A_222 = arith.constant 80 : i32
    %dma_wait3A_223 = tpu.memref_slice %arg8[%mul3A_184, %dma_wait3A_217, %div3A_179, %dma_wait3A_222] : memref<1024x1x200x96xf32, #tpu.memory_space<hbm>> -> memref<128x1x1x16xf32, #tpu.memory_space<hbm>>
    %dma_wait3A_224 = tpu.memref_squeeze %dma_wait3A_223 : memref<128x1x1x16xf32, #tpu.memory_space<hbm>> -> memref<128x16xf32, #tpu.memory_space<hbm>>
    %dma_wait3A_225 = tpu.memref_slice %arg16[%dma_wait3A_218] : memref<4x!tpu.dma_semaphore, #tpu.memory_space<semaphore_mem>> -> memref<1x!tpu.dma_semaphore, #tpu.memory_space<semaphore_mem>>
    %dma_wait3A_226 = tpu.memref_squeeze %dma_wait3A_225 : memref<1x!tpu.dma_semaphore, #tpu.memory_space<semaphore_mem>> -> memref<!tpu.dma_semaphore, #tpu.memory_space<semaphore_mem>>
    %dma_wait3A_227 = arith.constant 80 : i32
    %dma_wait3A_228 = tpu.memref_slice %arg8[%mul3A_184, %dma_wait3A_217, %div3A_179, %dma_wait3A_227] : memref<1024x1x200x96xf32, #tpu.memory_space<hbm>> -> memref<128x1x1x16xf32, #tpu.memory_space<hbm>>
    %dma_wait3A_229 = tpu.memref_squeeze %dma_wait3A_228 : memref<128x1x1x16xf32, #tpu.memory_space<hbm>> -> memref<128x16xf32, #tpu.memory_space<hbm>>
    %dma_wait3A_230 = arith.constant 128 : i32
    %dma_wait3A_231 = arith.constant 0 : i32
    %dma_wait3A_232 = tpu.memref_slice %arg14[%dma_wait3A_230, %dma_wait3A_231] : memref<512x16xf32, #tpu.memory_space<vmem>> -> memref<128x16xf32, #tpu.memory_space<vmem>>
    tpu.wait_dma2 semaphore(%dma_wait3A_226 : memref<!tpu.dma_semaphore, #tpu.memory_space<semaphore_mem>>) src(%dma_wait3A_232 : memref<128x16xf32, #tpu.memory_space<vmem>>) dst(%dma_wait3A_229 : memref<128x16xf32, #tpu.memory_space<hbm>>)
    return
  }
}

</mosaic_0001>

<sc_bundles>
// kernel: kernel.3.cloned.1.call-start
scs
__scs_entry_jumppad:
0x0: {  	(pc) =	sbr.rel $0x88, $3  }
0x1: {  	(tag) =	ssettag $0x0;
	lr =	simm.s32 $0x1  }
0x2: {  	[smem:$0x3F9B] =	sst lr;
	_ =	strace $0xD0000000  }
0x3: {  	_ = 	snop  }
0x4: {  	_ = 	snop  }
0x5: {  	_ = 	snop  }
0x6: {  	_ = 	snop  }
0x7: {  	_ = 	snop  }
__scs_overlays_trampoline_lowered:
0x8: {  	[smem:$0x3FAA] =	sst s0  }
0x9: {  	[smem:$0x3FAB] =	sst s1  }
0xa: {  	[smem:$0x3FAC] =	sst s2  }
0xb: {  	[smem:$0x3FAD] =	sst s3  }
0xc: {  	[smem:$0x3FAE] =	sst s4  }
0xd: {  	[smem:$0x3FAF] =	sst s5  }
0xe: {  	[smem:$0x3FB0] =	sst s6  }
0xf: {  	[smem:$0x3FB1] =	sst s7  }
0x10: {  	[smem:$0x3FB2] =	sst s8  }
0x11: {  	[smem:$0x3FB3] =	sst s9;
	s0 =	simm.s32 @!p0 $0x0  }
0x12: {  	s1 =	sld [smem:$0x3F99];
	s0 =	simm.s32 @p0 $0x1  }
0x13: {  	[smem:$0x3FB4] =	sst s0;
	s0 =	simm.s32 @!p1 $0x0  }
0x14: {  	s2 =	sld [smem:$0x3F98];
	s0 =	simm.s32 @p1 $0x1  }
0x15: {  	[smem:$0x3FB5] =	sst s0;
	s0 =	simm.s32 @!p2 $0x0  }
0x16: {  	s3 =	sld [smem:$0x3FDB];
	s0 =	simm.s32 @p2 $0x1  }
0x17: {  	s4 =	simm.s32 $0x1BF5;
	[smem:$0x3FB7] =	sst s0  }
0x18: {  	s0 =	sld [smem:$0x3F9A];
	_ =	swait.ge [sflag:s4], $0x0  }
0x19: {  	s7 =	sld [smem:$0x3F9B]  }
0x1a: {  	s8 =	sadd.s32 $0xFFFFE003, lr  }
0x1b: {  	s9 =	sadd.s32 $0xFFFFFEF7, lr;
	s5 =	simm.s32 $0xFFFFFFFF;
	p2 =	slt.u32 s8, $0xFFFFF086  }
0x1c: {  	p1 =	slt.u32 s9, $0xF7A;
	s5 =	simm.s32 @!p2 $0x0  }
0x1d: {  	s5 =	simm.s32 @p1 $0x1;
	p0 =	seq.s32 s7, s2  }
0x1e: {  	s7 =	smul.u32 @!p0 $0xF7A, s2;
	p2 =	seq.s32 @!p0 s5, $0x0  }
0x1f: {  	s9 =	smul.u32 $0xF7A, s1;
	s8 =	simm.s32 @!p0 $0x1BF5;
	p2 =	por !p2, p0  }
0x20: {  	[sflag:s8] =	ssyncset.s32 @!p0 $0xFFFFF086;
	s6 =	sadd.s32 @!p0 s3, s7;
	s7 =	simm.s32 @!p0 $0x108  }
0x21: {  	s3 =	sadd.s32 s3, s9;
	s6 =	sadd.s32 @!p0 $0x88, s6;
	s7 =	simm.s32 @p2 $0x1082  }
0x22: {  	[simem:s7], [sflag:s8] =	dma.local @!p0 [hbm:s6], $0xF7A  }
0x23: {  	s9 =	sor.u32 $0xD0000000, s2;
	s6 =	simm.s32 $0x108;
	_ =	swait.ge @!p0 [sflag:s8], $0x0  }
0x24: {  	s3 =	sadd.s32 $0x88, s3;
	s6 =	simm.s32 @!p1 $0x1082;
	[sflag:s4] =	ssyncset.s32 $0xFFFFF086  }
0x25: {  	[simem:s6], [sflag:s4] =	dma.local [hbm:s3], $0xF7A  }
0x26: {  	[smem:$0x3F9B] =	sst s1;
	(tag) =	ssettag s2;
	_ =	strace s9  }
0x27: {  	s1 =	sld [smem:$0x3FAB]  }
0x28: {  	s2 =	sld [smem:$0x3FAC]  }
0x29: {  	s4 =	sld [smem:$0x3FAE]  }
0x2a: {  	p0 =	seq.s32 s5, $0x0;
	s5 =	sld [smem:$0x3FAF]  }
0x2b: {  	s6 =	sld [smem:$0x3FB0]  }
0x2c: {  	s7 =	sld [smem:$0x3FB1]  }
0x2d: {  	s3 =	simm.s32 $0x108;
	s8 =	sld [smem:$0x3FB2]  }
0x2e: {  	s3 =	simm.s32 @!p0 $0x1082;
	s9 =	sld [smem:$0x3FB3]  }
0x2f: {  	lr =	sadd.s32 s0, s3;
	s0 =	sld [smem:$0x3FAA]  }
0x30: {  	s3 =	sld [smem:$0x3FAD]  }
0x31: {  	[smem:$0x3FB6] =	sst s10  }
0x32: {  	s10 =	sld [smem:$0x3FB4];
	_ =	sdelay $0x3  }
0x33: {  	p0 =	seq.s32 s10, $0x1;
	s10 =	sld [smem:$0x3FB6];
	_ =	sdelay $0x3  }
0x34: {  	[smem:$0x3FB6] =	sst s10  }
0x35: {  	s10 =	sld [smem:$0x3FB5];
	_ =	sdelay $0x3  }
0x36: {  	p1 =	seq.s32 s10, $0x1;
	s10 =	sld [smem:$0x3FB6];
	_ =	sdelay $0x3  }
0x37: {  	[smem:$0x3FB6] =	sst s10  }
0x38: {  	s10 =	sld [smem:$0x3FB7]  }
0x39: {  	_ = 	snop;
	(pc) =	sbr.ind lr, $3  }
0x3a: {  	_ = 	snop  }
0x3b: {  	_ = 	snop  }
0x3c: {  	p2 =	seq.s32 s10, $0x1;
	s10 =	sld [smem:$0x3FB6]  }
0x3d: {  	_ =	shalt  }
0x3e: {  	_ =	shalt  }
0x3f: {  	_ =	shalt  }
0x40: {  	_ =	shalt  }
0x41: {  	_ =	shalt  }
0x42: {  	_ =	shalt  }
0x43: {  	_ =	shalt  }
0x44: {  	_ =	shalt  }
0x45: {  	_ =	shalt  }
0x46: {  	_ =	shalt  }
0x47: {  	_ =	shalt  }
0x48: {  	_ =	shalt  }
0x49: {  	_ =	shalt  }
0x4a: {  	_ =	shalt  }
0x4b: {  	_ =	shalt  }
0x4c: {  	_ =	shalt  }
0x4d: {  	_ =	shalt  }
0x4e: {  	_ =	shalt  }
0x4f: {  	_ =	shalt  }
0x50: {  	_ =	shalt  }
0x51: {  	_ =	shalt  }
0x52: {  	_ =	shalt  }
0x53: {  	_ =	shalt  }
0x54: {  	_ =	shalt  }
0x55: {  	_ =	shalt  }
0x56: {  	_ =	shalt  }
0x57: {  	_ =	shalt  }
0x58: {  	_ =	shalt  }
0x59: {  	_ =	shalt  }
0x5a: {  	_ =	shalt  }
0x5b: {  	_ =	shalt  }
0x5c: {  	_ =	shalt  }
0x5d: {  	_ =	shalt  }
0x5e: {  	_ =	shalt  }
0x5f: {  	_ =	shalt  }
0x60: {  	_ =	shalt  }
0x61: {  	_ =	shalt  }
0x62: {  	_ =	shalt  }
0x63: {  	_ =	shalt  }
0x64: {  	_ =	shalt  }
0x65: {  	_ =	shalt  }
0x66: {  	_ =	shalt  }
0x67: {  	_ =	shalt  }
0x68: {  	_ =	shalt  }
0x69: {  	_ =	shalt  }
0x6a: {  	_ =	shalt  }
0x6b: {  	_ =	shalt  }
0x6c: {  	_ =	shalt  }
0x6d: {  	_ =	shalt  }
0x6e: {  	_ =	shalt  }
0x6f: {  	_ =	shalt  }
0x70: {  	_ =	shalt  }
0x71: {  	_ =	shalt  }
0x72: {  	_ =	shalt  }
0x73: {  	_ =	shalt  }
0x74: {  	_ =	shalt  }
0x75: {  	_ =	shalt  }
0x76: {  	_ =	shalt  }
0x77: {  	_ =	shalt  }
0x78: {  	_ =	shalt  }
0x79: {  	_ =	shalt  }
0x7a: {  	_ =	shalt  }
0x7b: {  	_ =	shalt  }
0x7c: {  	_ =	shalt  }
0x7d: {  	_ =	shalt  }
0x7e: {  	_ =	shalt  }
0x7f: {  	_ =	shalt  }
0x80: {  	_ =	shalt  }
0x81: {  	_ =	shalt  }
0x82: {  	_ =	shalt  }
0x83: {  	_ =	shalt  }
0x84: {  	_ =	shalt  }
0x85: {  	_ =	shalt  }
0x86: {  	_ =	shalt  }
0x87: {  	_ =	shalt  }
.Lfunc_end0:
.L_simem_size_0:
called_computation.1_lowered:
.L_overlay_start_0:
0x88: {  	s2 =	sld [smem:$0x3FD9]  }
0x89: {  	s3 =	sld [smem:$0x3FFE];
	_ =	sdelay $0x1  }
0x8a: {  	s1 =	srdreg.scid  }
0x8b: {  	s0 =	sand.u32 $0x1, s1  }
0x8c: {  	s17 =	sshll.u32 s0, $0xA;
	s2 =	sadd.s32 s3, s2  }
0x8d: {  	s2 =	sadd.s32 s2, s17  }
0x8e: {  	[smem:$0x3FC2] =	sst s2  }
0x8f: {  	_ = 	snop  }
0x90: {  	s2 =	sld [smem:$0x3FD0];
	(tm) =	ssettm $0x1  }
0x91: {  	s18 =	sld [smem:$0x3FFB];
	_ =	sdelay $0x3  }
0x92: {  	_ =	strace s18  }
0x93: {  	s3 =	sld [smem:$0x3FFC];
	_ =	sdelay $0x3  }
0x94: {  	_ =	strace s3  }
0x95: {  	s3 =	sld [smem:$0x3FFD];
	_ =	sdelay $0x3  }
0x96: {  	_ =	strace s3  }
0x97: {  	_ =	strace $0x8FFFFFFF  }
0x98: {  	s19 =	sld [smem:$0x3FDB];
	_ =	sdelay $0x1  }
0x99: {  	s4 =	simm.s32 $_scs_section_size  }
0x9a: {  	s5 =	simm.s32 $_size__tile_overlayer_lowered;
	s6 =	simm.s32 $_tile_overlayer_lowered  }
0x9b: {  	s22 =	simm.s32 $0x1BFF;
	s21 =	sshll.u32 s6, $0x1;
	s3 =	sadd.s32 s4, s19  }
0x9c: {  	s7 =	simm.s32 $0x0;
	s20 =	sshll.u32 s5, $0x1;
	s5 =	sadd.s32 s21, s3  }
0x9d: {  	[timem:s7], [sflag:s22] =	dma.local [hbm:s5], s20  }
0x9e: {  	_ =	swait.ge [sflag:s22], s20  }
0x9f: {  	s4 =	ssub.s32 $0x0, s20;
	[sflag:s22] =	ssyncset.done $0x0  }
0xa0: {  	[sflag:s22] =	ssyncadd.s32 s4;
	_ =	sdelay $0x1  }
0xa1: {  	s23 =	simm.s32 $0x1B8B  }
0xa2: {  	_ =	swait.ge [sflag:s23], $0x1  }
0xa3: {  	[sflag:s23] =	ssyncset.done $0x0  }
0xa4: {  	s25 =	simm.s32 $0x1B8E;
	s24 =	sld [smem:$0x3FFE];
	[sflag:s23] =	ssyncadd.s32 $0xFFFFFFFF  }
0xa5: {  	s26 =	simm.s32 $execute0_lowered;
	[smem:$0x3FD2] =	sst s25  }
0xa6: {  	s5 =	sshll.u32 s26, $0x1;
	_ =	strace $0x80000046;
	[dreg:$0x1] =	wrdreg $0xFFFFFFFF  }
0xa7: {  	s28 =	simm.s32 $_size_execute0_lowered;
	s3 =	sadd.s32 s3, s5;
	[dreg:$0x0] =	wrdreg $0x0  }
0xa8: {  	s5 =	sshll.u32 s28, $0x1;
	[dreg:$0x2] =	wrdreg s3  }
0xa9: {  	[dreg:$0x3] =	wrdreg s5  }
0xaa: {  	[dreg:$0x4] =	wrdreg $0xC0  }
0xab: {  	_ =	task [dreg:s7], $0x5FFFF  }
0xac: {  	[dreg:$0x1] =	wrdreg $0xFFFFFFFF  }
0xad: {  	[dreg:$0x0] =	wrdreg $0x60  }
0xae: {  	[dreg:$0x2] =	wrdreg s24  }
0xaf: {  	[dreg:$0x3] =	wrdreg s2  }
0xb0: {  	[dreg:$0x4] =	wrdreg $0x9  }
0xb1: {  	_ =	task.clear_ibuf [dreg:s7], $0x5FFFF;
	_ =	strace $0x90000046  }
0xb2: {  	s29 =	simm.s32 $0x9;
	_ =	strace $0x80000048  }
0xb3: {  	_ =	swait.ge [sflag:s29], $0x1  }
0xb4: {  	[sflag:s29] =	ssyncadd.s32 $0xFFFFFFFF  }
0xb5: {  	_ =	strace $0x90000048  }
0xb6: {  	_ =	sfence  }
0xb7: {  	s30 =	sld [smem:$0x0];
	_ =	sdelay $0x2  }
0xb8: {  	s31 =	sshll.u32 s1, $0xD;
	s1 =	sshrl.u32 s1, $0x2  }
0xb9: {  	s3 =	sand.u32 $0x4000, s31;
	s1 =	sadd.s32 s1, s30  }
0xba: {  	s0 =	sor.u32 s3, s0;
	s1 =	sshll.u32 s1, $0x11  }
0xbb: {  	s0 =	sor.u32 s1, s0  }
0xbc: {  	s0 =	sadd.s32 $0x8F2B, s0  }
0xbd: {  	[sflag:s0] =	ssyncadd.remote.s32 $0x1  }
0xbe: {  	_ =	sfence.sel $0xFFFF  }
0xbf: {  	[dreg:$0x0] =	wrdreg $0xFFFFFFFF;
	(pc) =	sbr.abs _section_cstart, $3  }
0xc0: {  	[dreg:$0x1] =	wrdreg $0xFFFFFFFF  }
0xc1: {  	_ =	task.clear_ibuf [dreg:s7], $0x2FFFF;
	_ =	strace $0x9FFFFFFF  }
0xc2: {  	(tm) =	ssettm $0x7FFFFFFF  }
0xc3: {  	_ =	shalt  }
tec
execute0_lowered:
.L_overlay_start_1:
0x0: {  	(tag) =	ssettag $0x1  }
0x1: {  	s0 =	srdreg.scid  }
0x2: {  	s1 =	stileid.u32;
	s7 =	rddreg [dreg:$0x0]  }
0x3: {  	s2 =	rddreg [dreg:$0x1];
	s4 =	simm.s32 $0x0;
	s16 =	simm.s32 $0x3  }
0x4: {  	s17 =	simm.s32 $0x10;
	s18 =	simm.s32 $0x4B00;
	s21 =	simm.s32 $0x80  }
0x5: {  	s22 =	simm.s32 $0x5400;
	s23 =	simm.s32 $0x15400;
	s24 =	simm.s32 $0x17400  }
0x6: {  	s25 =	simm.s32 $0x4;
	s0 =	sand.u32 $0x1, s0;
	s1 =	sshll.u32 s1, $0x1  }
0x7: {  	s28 =	simm.s32 $0x18C00;
	s29 =	simm.s32 $0x9400;
	s1 =	sor.u32 s0, s1  }
0x8: {  	s30 =	simm.s32 $0x15C00;
	s31 =	simm.s32 $0x17C00;
	s3 =	smul.u32 $0x32, s1  }
0x9: {  	s11 =	simm.s32 $0x0;
	[smem:$0x7FF] =	sst s4;
	s0 =	ssub.s32 $0x2, s0  }
0xa: {  	s5 =	sadd.s32 $0xF56A00, s7;
	s8 =	sshrl.u32 s0, $0x1;
	s1 =	sshll.u32 s3, $0x4  }
0xb: {  	s6 =	sadd.s32 $0xF56600, s7;
	s0 =	ssub.s32 s0, s8;
	s1 =	sand.u32 $0x7F80, s1  }
0xc: {  	_ =	strace $0x80000047;
	s0 =	smax.u32 s0, $0x1;
	s1 =	sadd.s32 s1, s7  }
0xd: {  	s8 =	sshrl.u32 s3, $0x3;
	[dreg:$0x6] =	wrdreg s0;
	s9 =	sadd.s32 $0xF4FE00, s1  }
0xe: {  	s0 =	simm.s32 $0x2;
	s26 =	sadd.s32 $0xF49A00, s1;
	[dreg:$0x3] =	wrdreg s9  }
0xf: {  	s7 =	sadd.s32 $0xF56200, s7;
	s1 =	sadd.s32 $0xF43600, s1;
	[dreg:$0x4] =	wrdreg s26  }
0x10: {  	[dreg:$0x5] =	wrdreg s1;
	s26 =	simm.s32 $0x16C00;
	s1 =	simm.s32 $0x1  }
.LBB2_1:
0x11: {  	[dreg:$0x7] =	wrdreg s11  }
0x12: {  	s9 =	rddreg [dreg:$0x3];
	s10 =	simm.s32 $0x9  }
0x13: {  	[tilespmem:s4], [sflag:$0x9] =	stream.linear.gather [hbm4b:s9+s4], $0x1C00, $0x38;
	[tilespmem:$0x19400] =	vst v63  }
0x14: {  	_ =	swait.ge [sflag:s10], $0x1C00  }
0x15: {  	[sflag:s10] =	ssyncset.done $0x0  }
0x16: {  	s15 =	simm.s32 $0x1C00;
	s14 =	rddreg [dreg:$0x4];
	[sflag:s10] =	ssyncadd.s32 $0xFFFFE400  }
0x17: {  	[tilespmem:s15], [sflag:$0x9] =	stream.linear.gather [hbm4b:s14+s4], $0x1C00, $0x38;
	[tilespmem:$0x19400] =	vst v63  }
0x18: {  	_ =	swait.ge [sflag:s10], $0x1C00  }
0x19: {  	[sflag:s10] =	ssyncset.done $0x0  }
0x1a: {  	s20 =	simm.s32 $0x3800;
	s19 =	rddreg [dreg:$0x5];
	[sflag:s10] =	ssyncadd.s32 $0xFFFFE400  }
0x1b: {  	[tilespmem:s20], [sflag:$0x9] =	stream.linear.gather [hbm4b:s19+s4], $0x1C00, $0x38;
	[tilespmem:$0x19400] =	vst v63  }
0x1c: {  	_ =	swait.ge [sflag:s10], $0x1C00  }
0x1d: {  	[sflag:s10] =	ssyncset.done $0x0  }
0x1e: {  	s12 =	simm.s32 $0x0;
	[sflag:s10] =	ssyncadd.s32 $0xFFFFE400  }
.LBB2_2:
0x1f: {  	s13 =	sshll.u32 s12, $0x2  }
0x20: {  	s9 =	sadd.s32 $0xFFFFFFFE, s13  }
0x21: {  	p0 =	sgt.u32 s9, $0x31  }
.Ltmp0:
0x22: {  	_ = 	snop;
	(pc) =	sbr.rel @p0 .LBB2_6-.Ltmp0, $1  }
0x23: {  	_ =	sdelay $0x3  }
0x24: {  	_ =	swait.ge [sflag:s16], $0x4000  }
0x25: {  	s9 =	sadd.s32 s3, s9;
	[sflag:s16] =	ssyncset.done $0x0  }
0x26: {  	s10 =	sand.u32 $0x6, s9;
	[sflag:s16] =	ssyncadd.s32 $0xFFFFC000  }
0x27: {  	s9 =	sshrl.u32 s9, $0x3;
	s10 =	smul.u32 $0x258000, s10;
	_ =	swait.ge [sflag:s16], $0x800  }
0x28: {  	s9 =	smul.u32 $0x60, s9;
	[sflag:s16] =	ssyncset.done $0x0  }
0x29: {  	[sflag:s16] =	ssyncadd.s32 $0xFFFFF800  }
0x2a: {  	s9 =	sadd.s32 s9, s10;
	_ =	swait.ge [sflag:s16], $0x800  }
0x2b: {  	s11 =	simm.s32 $0xD400;
	s9 =	sshrl.u32 s9, $0x3;
	[sflag:s16] =	ssyncset.done $0x0  }
0x2c: {  	s14 =	simm.s32 $0x200;
	s10 =	sadd.s32 s2, s9;
	[sflag:s16] =	ssyncadd.s32 $0xFFFFF800  }
0x2d: {  	[hbm4b:s10+s4] =	stream.linear.scatter [tilespmem:s11], [sflag:$0x7], $0x40, $0x38;
	[tilespmem:$0x19400] =	vst v63  }
.LBB2_4:
0x2e: {  	p0 =	sne.s32 s14, $0xFE00  }
.Ltmp1:
0x2f: {  	_ = 	snop;
	(pc) =	sbr.rel @p0 .LBB2_4-.Ltmp1, $4  }
0x30: {  	_ = 	snop  }
0x31: {  	s11 =	sshra.s32 s14, $0x2;
	s14 =	sadd.s32 $0x200, s14  }
0x32: {  	s10 =	sadd.s32 $0x960, s10;
	s11 =	sadd.s32 $0xD400, s11  }
0x33: {  	[hbm4b:s10+s4] =	stream.linear.scatter [tilespmem:s11], [sflag:$0x7], $0x40, $0x38;
	[tilespmem:$0x19400] =	vst v63  }
0x34: {  	s9 =	sadd.s32 s2, s9  }
0x35: {  	s11 =	simm.s32 $0x16400;
	s10 =	sadd.s32 $0x8, s9  }
0x36: {  	[hbm4b:s10+s17] =	stream.strided.scatter [tilespmem:s11], [sflag:$0x7], $0x800, s18, s17, $0x38;
	[tilespmem:$0x19400] =	vst v63  }
0x37: {  	s20 =	simm.s32 $0x18400;
	s9 =	sadd.s32 $0xA, s9  }
0x38: {  	[hbm4b:s9+s17] =	stream.strided.scatter [tilespmem:s20], [sflag:$0x7], $0x800, s18, s17, $0x38;
	[tilespmem:$0x19400] =	vst v63  }
.LBB2_6:
0x39: {  	p0 =	seq.s32 s12, $0x0  }
0x3a: {  	s10 =	simm.s32 @!p0 $0x5  }
0x3b: {  	_ =	swait.ge @!p0 [sflag:s10], $0x2000  }
0x3c: {  	[sflag:s10] =	ssyncset.done @!p0 $0x0  }
0x3d: {  	[sflag:s10] =	ssyncadd.s32 @!p0 $0xFFFFE000  }
0x3e: {  	_ =	swait.ge @!p0 [sflag:s10], $0x800  }
0x3f: {  	s9 =	sadd.s32 s3, s13;
	[sflag:s10] =	ssyncset.done @!p0 $0x0  }
0x40: {  	s14 =	sshrl.u32 s9, $0x3;
	[sflag:s10] =	ssyncadd.s32 @!p0 $0xFFFFF800  }
0x41: {  	s15 =	sshll.u32 s9, $0x7;
	s11 =	ssub.s32 s14, s8;
	_ =	swait.ge @!p0 [sflag:s10], $0x800  }
0x42: {  	s15 =	sand.u32 $0x300, s15;
	s11 =	sshll.u32 s11, $0xA;
	[sflag:s10] =	ssyncset.done @!p0 $0x0  }
0x43: {  	s20 =	sor.u32 s15, s11;
	[sflag:s10] =	ssyncadd.s32 @!p0 $0xFFFFF800  }
0x44: {  	[tilespmem:s22], [sflag:$0x1] =	stream.indirect.gather [hbm4b:s5+s21], $0x80, s20, s21, $0xb8;
	[tilespmem:$0x19400] =	vst v63  }
0x45: {  	s11 =	sadd.s32 $0x1C00, s20  }
0x46: {  	[tilespmem:s23], [sflag:$0x1] =	stream.indirect.gather [hbm4b:s6+s21], $0x10, s11, s21, $0xb8;
	[tilespmem:$0x19400] =	vst v63  }
0x47: {  	s10 =	sadd.s32 $0x3800, s20  }
0x48: {  	[tilespmem:s24], [sflag:$0x1] =	stream.indirect.gather [hbm4b:s7+s21], $0x10, s10, s21, $0xb8;
	[tilespmem:$0x19400] =	vst v63  }
0x49: {  	s10 =	sadd.s32 $0xFFFFFFFF, s13  }
0x4a: {  	p1 =	sgt.u32 s10, $0x31  }
.Ltmp2:
0x4b: {  	_ = 	snop;
	(pc) =	sbr.rel @p1 .LBB2_10-.Ltmp2, $1  }
0x4c: {  	_ =	sdelay $0x3  }
0x4d: {  	_ =	swait.ge [sflag:s25], $0x4000  }
0x4e: {  	s10 =	sadd.s32 s3, s10;
	[sflag:s25] =	ssyncset.done $0x0  }
0x4f: {  	s11 =	sand.u32 $0x7, s10;
	[sflag:s25] =	ssyncadd.s32 $0xFFFFC000  }
0x50: {  	s10 =	sshrl.u32 s10, $0x3;
	s11 =	smul.u32 $0x258000, s11;
	_ =	swait.ge [sflag:s25], $0x800  }
0x51: {  	s10 =	smul.u32 $0x60, s10;
	[sflag:s25] =	ssyncset.done $0x0  }
0x52: {  	[sflag:s25] =	ssyncadd.s32 $0xFFFFF800  }
0x53: {  	s10 =	sadd.s32 s10, s11;
	_ =	swait.ge [sflag:s25], $0x800  }
0x54: {  	s20 =	simm.s32 $0x11400;
	s10 =	sshrl.u32 s10, $0x3;
	[sflag:s25] =	ssyncset.done $0x0  }
0x55: {  	s11 =	simm.s32 $0x200;
	s15 =	sadd.s32 s2, s10;
	[sflag:s25] =	ssyncadd.s32 $0xFFFFF800  }
0x56: {  	[hbm4b:s15+s4] =	stream.linear.scatter [tilespmem:s20], [sflag:$0x8], $0x40, $0x38;
	[tilespmem:$0x19400] =	vst v63  }
.LBB2_8:
0x57: {  	p1 =	sne.s32 s11, $0xFE00  }
.Ltmp3:
0x58: {  	_ = 	snop;
	(pc) =	sbr.rel @p1 .LBB2_8-.Ltmp3, $4  }
0x59: {  	_ = 	snop  }
0x5a: {  	s19 =	sshra.s32 s11, $0x2;
	s11 =	sadd.s32 $0x200, s11  }
0x5b: {  	s15 =	sadd.s32 $0x960, s15;
	s19 =	sadd.s32 $0x11400, s19  }
0x5c: {  	[hbm4b:s15+s4] =	stream.linear.scatter [tilespmem:s19], [sflag:$0x8], $0x40, $0x38;
	[tilespmem:$0x19400] =	vst v63  }
0x5d: {  	s10 =	sadd.s32 s2, s10  }
0x5e: {  	s11 =	sadd.s32 $0x8, s10  }
0x5f: {  	[hbm4b:s11+s17] =	stream.strided.scatter [tilespmem:s26], [sflag:$0x8], $0x800, s18, s17, $0x38;
	[tilespmem:$0x19400] =	vst v63  }
0x60: {  	s10 =	sadd.s32 $0xA, s10  }
0x61: {  	[hbm4b:s10+s17] =	stream.strided.scatter [tilespmem:s28], [sflag:$0x8], $0x800, s18, s17, $0x38;
	[tilespmem:$0x19400] =	vst v63  }
.LBB2_10:
0x62: {  	s11 =	simm.s32 @!p0 $0x6  }
0x63: {  	_ =	swait.ge @!p0 [sflag:s11], $0x2000  }
0x64: {  	[sflag:s11] =	ssyncset.done @!p0 $0x0  }
0x65: {  	[sflag:s11] =	ssyncadd.s32 @!p0 $0xFFFFE000  }
0x66: {  	s10 =	sor.u32 $0x1, s13;
	_ =	swait.ge @!p0 [sflag:s11], $0x800  }
0x67: {  	s10 =	sadd.s32 s3, s10;
	[sflag:s11] =	ssyncset.done @!p0 $0x0  }
0x68: {  	s15 =	sshrl.u32 s10, $0x3;
	[sflag:s11] =	ssyncadd.s32 @!p0 $0xFFFFF800  }
0x69: {  	s20 =	sshll.u32 s10, $0x7;
	s19 =	ssub.s32 s15, s8;
	_ =	swait.ge @!p0 [sflag:s11], $0x800  }
0x6a: {  	s20 =	sand.u32 $0x380, s20;
	s19 =	sshll.u32 s19, $0xA;
	[sflag:s11] =	ssyncset.done @!p0 $0x0  }
0x6b: {  	s20 =	sor.u32 s20, s19;
	[sflag:s11] =	ssyncadd.s32 @!p0 $0xFFFFF800  }
0x6c: {  	[tilespmem:s29], [sflag:$0x2] =	stream.indirect.gather [hbm4b:s5+s21], $0x80, s20, s21, $0xb8;
	[tilespmem:$0x19400] =	vst v63  }
0x6d: {  	s19 =	sadd.s32 $0x1C00, s20  }
0x6e: {  	[tilespmem:s30], [sflag:$0x2] =	stream.indirect.gather [hbm4b:s6+s21], $0x10, s19, s21, $0xb8;
	[tilespmem:$0x19400] =	vst v63  }
0x6f: {  	s11 =	sadd.s32 $0x3800, s20  }
0x70: {  	[tilespmem:s31], [sflag:$0x2] =	stream.indirect.gather [hbm4b:s7+s21], $0x10, s11, s21, $0xb8;
	[tilespmem:$0x19400] =	vst v63  }
0x71: {  	_ =	swait.ge [sflag:s1], $0x4000  }
0x72: {  	[sflag:s1] =	ssyncset.done $0x0  }
0x73: {  	s9 =	sand.u32 $0x6, s9;
	[sflag:s1] =	ssyncadd.s32 $0xFFFFC000  }
0x74: {  	s9 =	smul.u32 $0x258000, s9;
	_ =	swait.ge [sflag:s1], $0x800  }
0x75: {  	s19 =	smul.u32 $0x60, s14;
	[sflag:s1] =	ssyncset.done $0x0  }
0x76: {  	[sflag:s1] =	ssyncadd.s32 $0xFFFFF800  }
0x77: {  	s9 =	sadd.s32 s19, s9;
	_ =	swait.ge [sflag:s1], $0x800  }
0x78: {  	s20 =	simm.s32 $0x5400;
	s9 =	sshrl.u32 s9, $0x3;
	[sflag:s1] =	ssyncset.done $0x0  }
0x79: {  	s11 =	simm.s32 $0x200;
	s14 =	sadd.s32 s2, s9;
	[sflag:s1] =	ssyncadd.s32 $0xFFFFF800  }
0x7a: {  	[hbm4b:s14+s4] =	stream.linear.scatter [tilespmem:s20], [sflag:$0x5], $0x40, $0x38;
	[tilespmem:$0x19400] =	vst v63  }
.LBB2_11:
0x7b: {  	p0 =	sne.s32 s11, $0xFE00  }
.Ltmp4:
0x7c: {  	_ = 	snop;
	(pc) =	sbr.rel @p0 .LBB2_11-.Ltmp4, $4  }
0x7d: {  	_ = 	snop  }
0x7e: {  	s19 =	sshra.s32 s11, $0x2;
	s11 =	sadd.s32 $0x200, s11  }
0x7f: {  	s14 =	sadd.s32 $0x960, s14;
	s19 =	sadd.s32 $0x5400, s19  }
0x80: {  	[hbm4b:s14+s4] =	stream.linear.scatter [tilespmem:s19], [sflag:$0x5], $0x40, $0x38;
	[tilespmem:$0x19400] =	vst v63  }
0x81: {  	s9 =	sadd.s32 s2, s9  }
0x82: {  	s11 =	sadd.s32 $0x8, s9  }
0x83: {  	[hbm4b:s11+s17] =	stream.strided.scatter [tilespmem:s23], [sflag:$0x5], $0x800, s18, s17, $0x38;
	[tilespmem:$0x19400] =	vst v63  }
0x84: {  	s11 =	sor.u32 $0x2, s13  }
0x85: {  	s9 =	sadd.s32 $0xA, s9;
	p0 =	sgt.u32 s11, $0x31  }
0x86: {  	[hbm4b:s9+s17] =	stream.strided.scatter [tilespmem:s24], [sflag:$0x5], $0x800, s18, s17, $0x38;
	[tilespmem:$0x19400] =	vst v63  }
0x87: {  	p1 =	seq.s32 @!p0 s12, $0x0  }
0x88: {  	p1 =	por p1, p0  }
0x89: {  	s9 =	simm.s32 @!p1 $0x7  }
0x8a: {  	_ =	swait.ge @!p1 [sflag:s9], $0x2000  }
0x8b: {  	[sflag:s9] =	ssyncset.done @!p1 $0x0  }
0x8c: {  	[sflag:s9] =	ssyncadd.s32 @!p1 $0xFFFFE000  }
0x8d: {  	_ =	swait.ge @!p1 [sflag:s9], $0x800  }
0x8e: {  	[sflag:s9] =	ssyncset.done @!p1 $0x0  }
0x8f: {  	s11 =	sadd.s32 @!p0 s3, s11;
	[sflag:s9] =	ssyncadd.s32 @!p1 $0xFFFFF800  }
0x90: {  	s14 =	sshrl.u32 @!p0 s11, $0x3;
	_ =	swait.ge @!p1 [sflag:s9], $0x800  }
0x91: {  	s11 =	sshll.u32 @!p0 s11, $0x7;
	s14 =	ssub.s32 @!p0 s14, s8;
	[sflag:s9] =	ssyncset.done @!p1 $0x0  }
0x92: {  	[sflag:s9] =	ssyncadd.s32 @!p1 $0xFFFFF800;
	s9 =	sand.u32 @!p0 $0x300, s11;
	s11 =	sshll.u32 @!p0 s14, $0xA  }
0x93: {  	s14 =	simm.s32 @!p0 $0xD400;
	s9 =	sor.u32 @!p0 s9, s11;
	s11 =	simm.s32 @!p0 $0x80  }
0x94: {  	[tilespmem:s14], [sflag:$0x3] =	stream.indirect.gather @!p0 [hbm4b:s5+s11], $0x80, s9, s11, $0xb8;
	[tilespmem:$0x19400] =	vst v63  }
0x95: {  	s19 =	simm.s32 @!p0 $0x16400;
	s14 =	sadd.s32 @!p0 $0x1C00, s9  }
0x96: {  	[tilespmem:s19], [sflag:$0x3] =	stream.indirect.gather @!p0 [hbm4b:s6+s11], $0x10, s14, s11, $0xb8;
	[tilespmem:$0x19400] =	vst v63  }
0x97: {  	s9 =	sadd.s32 @!p0 $0x3800, s9;
	s14 =	simm.s32 @!p0 $0x18400  }
0x98: {  	[tilespmem:s14], [sflag:$0x3] =	stream.indirect.gather @!p0 [hbm4b:s7+s11], $0x10, s9, s11, $0xb8;
	[tilespmem:$0x19400] =	vst v63  }
0x99: {  	_ =	swait.ge [sflag:s0], $0x4000  }
0x9a: {  	[sflag:s0] =	ssyncset.done $0x0  }
0x9b: {  	[sflag:s0] =	ssyncadd.s32 $0xFFFFC000  }
0x9c: {  	s19 =	smul.u32 $0x60, s15;
	s14 =	sand.u32 $0x7, s10;
	_ =	swait.ge [sflag:s0], $0x800  }
0x9d: {  	s9 =	smul.u32 $0x258000, s14;
	[sflag:s0] =	ssyncset.done $0x0  }
0x9e: {  	[sflag:s0] =	ssyncadd.s32 $0xFFFFF800  }
0x9f: {  	s9 =	sadd.s32 s19, s9;
	_ =	swait.ge [sflag:s0], $0x800  }
0xa0: {  	s20 =	simm.s32 $0x9400;
	s9 =	sshrl.u32 s9, $0x3;
	[sflag:s0] =	ssyncset.done $0x0  }
0xa1: {  	s11 =	simm.s32 $0x200;
	s10 =	sadd.s32 s2, s9;
	[sflag:s0] =	ssyncadd.s32 $0xFFFFF800  }
0xa2: {  	[hbm4b:s10+s4] =	stream.linear.scatter [tilespmem:s20], [sflag:$0x6], $0x40, $0x38;
	[tilespmem:$0x19400] =	vst v63  }
.LBB2_13:
0xa3: {  	p0 =	sne.s32 s11, $0xFE00  }
.Ltmp5:
0xa4: {  	_ = 	snop;
	(pc) =	sbr.rel @p0 .LBB2_13-.Ltmp5, $4  }
0xa5: {  	_ = 	snop  }
0xa6: {  	s14 =	sshra.s32 s11, $0x2;
	s11 =	sadd.s32 $0x200, s11  }
0xa7: {  	s10 =	sadd.s32 $0x960, s10;
	s14 =	sadd.s32 $0x9400, s14  }
0xa8: {  	[hbm4b:s10+s4] =	stream.linear.scatter [tilespmem:s14], [sflag:$0x6], $0x40, $0x38;
	[tilespmem:$0x19400] =	vst v63  }
0xa9: {  	s9 =	sadd.s32 s2, s9  }
0xaa: {  	s10 =	sadd.s32 $0x8, s9  }
0xab: {  	[hbm4b:s10+s17] =	stream.strided.scatter [tilespmem:s30], [sflag:$0x6], $0x800, s18, s17, $0x38;
	[tilespmem:$0x19400] =	vst v63  }
0xac: {  	s10 =	sor.u32 $0x3, s13  }
0xad: {  	s9 =	sadd.s32 $0xA, s9;
	p0 =	sgt.u32 s10, $0x31  }
0xae: {  	[hbm4b:s9+s17] =	stream.strided.scatter [tilespmem:s31], [sflag:$0x6], $0x800, s18, s17, $0x38;
	[tilespmem:$0x19400] =	vst v63  }
0xaf: {  	p1 =	seq.s32 @!p0 s12, $0x0  }
0xb0: {  	p1 =	por p1, p0  }
0xb1: {  	s9 =	simm.s32 @!p1 $0x8  }
0xb2: {  	_ =	swait.ge @!p1 [sflag:s9], $0x2000  }
0xb3: {  	[sflag:s9] =	ssyncset.done @!p1 $0x0  }
0xb4: {  	[sflag:s9] =	ssyncadd.s32 @!p1 $0xFFFFE000  }
0xb5: {  	_ =	swait.ge @!p1 [sflag:s9], $0x800  }
0xb6: {  	[sflag:s9] =	ssyncset.done @!p1 $0x0  }
0xb7: {  	s10 =	sadd.s32 @!p0 s3, s10;
	[sflag:s9] =	ssyncadd.s32 @!p1 $0xFFFFF800  }
0xb8: {  	s11 =	sshrl.u32 @!p0 s10, $0x3;
	_ =	swait.ge @!p1 [sflag:s9], $0x800  }
0xb9: {  	s10 =	sshll.u32 @!p0 s10, $0x7;
	s11 =	ssub.s32 @!p0 s11, s8;
	[sflag:s9] =	ssyncset.done @!p1 $0x0  }
0xba: {  	[sflag:s9] =	ssyncadd.s32 @!p1 $0xFFFFF800;
	s9 =	sand.u32 @!p0 $0x380, s10;
	s10 =	sshll.u32 @!p0 s11, $0xA  }
0xbb: {  	s11 =	simm.s32 @!p0 $0x11400;
	s9 =	sor.u32 @!p0 s9, s10;
	s10 =	simm.s32 @!p0 $0x80  }
0xbc: {  	[tilespmem:s11], [sflag:$0x4] =	stream.indirect.gather @!p0 [hbm4b:s5+s10], $0x80, s9, s10, $0xb8;
	[tilespmem:$0x19400] =	vst v63  }
0xbd: {  	s13 =	simm.s32 @!p0 $0x16C00;
	s11 =	sadd.s32 @!p0 $0x1C00, s9  }
0xbe: {  	[tilespmem:s13], [sflag:$0x4] =	stream.indirect.gather @!p0 [hbm4b:s6+s10], $0x10, s11, s10, $0xb8;
	[tilespmem:$0x19400] =	vst v63  }
0xbf: {  	s12 =	sadd.s32 $0x1, s12;
	s9 =	sadd.s32 @!p0 $0x3800, s9;
	s11 =	simm.s32 @!p0 $0x18C00  }
0xc0: {  	[tilespmem:s11], [sflag:$0x4] =	stream.indirect.gather @!p0 [hbm4b:s7+s10], $0x10, s9, s10, $0xb8;
	[tilespmem:$0x19400] =	vst v63  }
0xc1: {  	p0 =	sne.s32 s12, $0xD  }
.Ltmp6:
0xc2: {  	_ = 	snop;
	(pc) =	sbr.rel @p0 .LBB2_2-.Ltmp6, $1  }
0xc3: {  	_ =	sdelay $0x3  }
0xc4: {  	s9 =	simm.s32 $0x7  }
0xc5: {  	_ =	swait.ge [sflag:s9], $0x2000  }
0xc6: {  	[sflag:s9] =	ssyncset.done $0x0  }
0xc7: {  	[sflag:s9] =	ssyncadd.s32 $0xFFFFE000  }
0xc8: {  	_ =	swait.ge [sflag:s9], $0x800  }
0xc9: {  	[sflag:s9] =	ssyncset.done $0x0  }
0xca: {  	[sflag:s9] =	ssyncadd.s32 $0xFFFFF800  }
0xcb: {  	_ =	swait.ge [sflag:s9], $0x800  }
0xcc: {  	[sflag:s9] =	ssyncset.done $0x0  }
0xcd: {  	s15 =	simm.s32 $0x8;
	[sflag:s9] =	ssyncadd.s32 $0xFFFFF800  }
0xce: {  	_ =	swait.ge [sflag:s15], $0x2000  }
0xcf: {  	[sflag:s15] =	ssyncset.done $0x0  }
0xd0: {  	[sflag:s15] =	ssyncadd.s32 $0xFFFFE000  }
0xd1: {  	_ =	swait.ge [sflag:s15], $0x800  }
0xd2: {  	[sflag:s15] =	ssyncset.done $0x0  }
0xd3: {  	[sflag:s15] =	ssyncadd.s32 $0xFFFFF800  }
0xd4: {  	_ =	swait.ge [sflag:s15], $0x800  }
0xd5: {  	[sflag:s15] =	ssyncset.done $0x0  }
0xd6: {  	s19 =	simm.s32 $0x5;
	[sflag:s15] =	ssyncadd.s32 $0xFFFFF800  }
0xd7: {  	_ =	swait.ge [sflag:s19], $0x2000  }
0xd8: {  	[sflag:s19] =	ssyncset.done $0x0  }
0xd9: {  	[sflag:s19] =	ssyncadd.s32 $0xFFFFE000  }
0xda: {  	_ =	swait.ge [sflag:s19], $0x800  }
0xdb: {  	[sflag:s19] =	ssyncset.done $0x0  }
0xdc: {  	[sflag:s19] =	ssyncadd.s32 $0xFFFFF800  }
0xdd: {  	_ =	swait.ge [sflag:s19], $0x800  }
0xde: {  	[sflag:s19] =	ssyncset.done $0x0  }
0xdf: {  	s10 =	simm.s32 $0x6;
	[sflag:s19] =	ssyncadd.s32 $0xFFFFF800  }
0xe0: {  	_ =	swait.ge [sflag:s10], $0x2000  }
0xe1: {  	[sflag:s10] =	ssyncset.done $0x0  }
0xe2: {  	[sflag:s10] =	ssyncadd.s32 $0xFFFFE000  }
0xe3: {  	_ =	swait.ge [sflag:s10], $0x800  }
0xe4: {  	[sflag:s10] =	ssyncset.done $0x0  }
0xe5: {  	[sflag:s10] =	ssyncadd.s32 $0xFFFFF800  }
0xe6: {  	_ =	swait.ge [sflag:s10], $0x800  }
0xe7: {  	s11 =	rddreg [dreg:$0x7]  }
0xe8: {  	s20 =	rddreg [dreg:$0x6];
	s11 =	sadd.s32 $0x1, s11  }
0xe9: {  	p0 =	sne.s32 s11, s20  }
.Ltmp7:
0xea: {  	_ = 	snop;
	(pc) =	sbr.rel @p0 .LBB2_1-.Ltmp7, $3  }
0xeb: {  	_ =	sdelay $0x1  }
0xec: {  	[sflag:s10] =	ssyncset.done $0x0  }
0xed: {  	[sflag:s10] =	ssyncadd.s32 $0xFFFFF800  }
0xee: {  	_ =	sfence.sel $0x180000  }
0xef: {  	[bflag:$0x0] =	sbarrier.arrive $0xFFFF  }
0xf0: {  	_ =	strace $0x90000047  }
0xf1: {  	s0 =	stileid.u32;
	[bflag:$0x2] =	sbarrier.arrive $0xFFFF  }
0xf2: {  	p0 =	sne.s32 s0, $0x0;
	s0 =	rddreg [dreg:$0x2]  }
0xf3: {  	s0 =	sadd.s32 @!p0 $0x100000, s0  }
0xf4: {  	[sflag:s0] =	ssyncadd.tile.s32 @!p0 $0x1;
	_ =	shalt  }
.Lfunc_end2:
_tile_overlayer_lowered:
.L_overlay_start_2:
0xf5: {  	(tag) =	ssettag $0x2  }
0xf6: {  	s0 =	rddreg [dreg:$0x0];
	s2 =	stileid.u32  }
0xf7: {  	s1 =	rddreg [dreg:$0x1];
	p0 =	sne.s32 s2, $0x0  }
0xf8: {  	s3 =	rddreg [dreg:$0x2];
	[bflag:$0x3] =	sbarrier.arrive $0xFFFF;
	s2 =	simm.s32 @!p0 $0x1C09  }
0xf9: {  	[timem:s3], [sflag:s2] =	dma.local @!p0 [hbm:s0], s1  }
0xfa: {  	s0 =	simm.s32 @!p0 $0x9  }
0xfb: {  	_ =	swait.ge @!p0 [sflag:s0], s1  }
0xfc: {  	s1 =	ssub.s32 @!p0 $0x0, s1;
	[sflag:s0] =	ssyncset.done @!p0 $0x0  }
0xfd: {  	[sflag:s0] =	ssyncadd.s32 @!p0 s1  }
0xfe: {  	[bflag:$0x3] =	sbarrier.arrive $0xFFFF  }
0xff: {  	_ =	shalt  }

// kernel: sparse-core-data-format-call.cloned.1.call-start
scs
called_computation_lowered:
.L_overlay_start_0:
0x0: {  	s2 =	sld [smem:$0x3FD9]  }
0x1: {  	s3 =	sld [smem:$0x3FFE];
	_ =	sdelay $0x1  }
0x2: {  	s1 =	srdreg.scid  }
0x3: {  	s0 =	sand.u32 $0x1, s1  }
0x4: {  	s18 =	sshll.u32 s0, $0xA;
	s2 =	sadd.s32 s3, s2  }
0x5: {  	s2 =	sadd.s32 s2, s18  }
0x6: {  	[smem:$0x3FC2] =	sst s2  }
0x7: {  	_ = 	snop  }
0x8: {  	s2 =	sld [smem:$0x3FD0];
	(tm) =	ssettm $0x1  }
0x9: {  	s19 =	sld [smem:$0x3FFB];
	_ =	sdelay $0x3  }
0xa: {  	_ =	strace s19  }
0xb: {  	s3 =	sld [smem:$0x3FFC];
	_ =	sdelay $0x3  }
0xc: {  	_ =	strace s3  }
0xd: {  	s3 =	sld [smem:$0x3FFD];
	_ =	sdelay $0x3  }
0xe: {  	_ =	strace s3  }
0xf: {  	_ =	strace $0x8FFFFFFF  }
0x10: {  	s20 =	sld [smem:$0x3FDB];
	_ =	sdelay $0x1  }
0x11: {  	s4 =	simm.s32 $_scs_section_size  }
0x12: {  	s5 =	simm.s32 $_size__tile_overlayer_lowered;
	s6 =	simm.s32 $_tile_overlayer_lowered  }
0x13: {  	s23 =	simm.s32 $0x1BFF;
	s22 =	sshll.u32 s6, $0x1;
	s3 =	sadd.s32 s4, s20  }
0x14: {  	s7 =	simm.s32 $0x0;
	s21 =	sshll.u32 s5, $0x1;
	s5 =	sadd.s32 s22, s3  }
0x15: {  	[timem:s7], [sflag:s23] =	dma.local [hbm:s5], s21  }
0x16: {  	_ =	swait.ge [sflag:s23], s21  }
0x17: {  	s4 =	ssub.s32 $0x0, s21;
	[sflag:s23] =	ssyncset.done $0x0  }
0x18: {  	[sflag:s23] =	ssyncadd.s32 s4;
	_ =	sdelay $0x1  }
0x19: {  	s24 =	simm.s32 $0x1B8B  }
0x1a: {  	_ =	swait.ge [sflag:s24], $0x1  }
0x1b: {  	[sflag:s24] =	ssyncset.done $0x0  }
0x1c: {  	s26 =	simm.s32 $0x1B8E;
	s25 =	sld [smem:$0x3FFE];
	[sflag:s24] =	ssyncadd.s32 $0xFFFFFFFF  }
0x1d: {  	s27 =	simm.s32 $execute0_lowered;
	[smem:$0x3FD2] =	sst s26  }
0x1e: {  	s5 =	sshll.u32 s27, $0x1;
	_ =	strace $0x80000049;
	[dreg:$0x1] =	wrdreg $0xFFFFFFFF  }
0x1f: {  	s28 =	simm.s32 $_size_execute0_lowered;
	s3 =	sadd.s32 s3, s5;
	[dreg:$0x0] =	wrdreg $0x0  }
0x20: {  	s5 =	sshll.u32 s28, $0x1;
	[dreg:$0x2] =	wrdreg s3  }
0x21: {  	[dreg:$0x3] =	wrdreg s5  }
0x22: {  	[dreg:$0x4] =	wrdreg $0xC0  }
0x23: {  	_ =	task [dreg:s7], $0x5FFFF  }
0x24: {  	[dreg:$0x1] =	wrdreg $0xFFFFFFFF  }
0x25: {  	[dreg:$0x0] =	wrdreg $0x60  }
0x26: {  	[dreg:$0x2] =	wrdreg s25  }
0x27: {  	[dreg:$0x3] =	wrdreg s2  }
0x28: {  	[dreg:$0x4] =	wrdreg $0x9  }
0x29: {  	_ =	task.clear_ibuf [dreg:s7], $0x5FFFF;
	_ =	strace $0x90000049  }
0x2a: {  	s29 =	simm.s32 $0x9;
	_ =	strace $0x8000004B  }
0x2b: {  	_ =	swait.ge [sflag:s29], $0x1  }
0x2c: {  	[sflag:s29] =	ssyncadd.s32 $0xFFFFFFFF  }
0x2d: {  	_ =	strace $0x9000004B  }
0x2e: {  	_ =	sfence  }
0x2f: {  	s30 =	sld [smem:$0x0];
	_ =	sdelay $0x2  }
0x30: {  	s31 =	sshll.u32 s1, $0xD;
	s1 =	sshrl.u32 s1, $0x2  }
0x31: {  	s3 =	sand.u32 $0x4000, s31;
	s1 =	sadd.s32 s1, s30  }
0x32: {  	s0 =	sor.u32 s3, s0;
	s1 =	sshll.u32 s1, $0x11  }
0x33: {  	s0 =	sor.u32 s1, s0  }
0x34: {  	s0 =	sadd.s32 $0x8F2B, s0  }
0x35: {  	[sflag:s0] =	ssyncadd.remote.s32 $0x1  }
0x36: {  	_ =	sfence.sel $0xFFFF  }
0x37: {  	[dreg:$0x0] =	wrdreg $0xFFFFFFFF;
	(pc) =	sbr.abs _section_cstart, $3  }
0x38: {  	[dreg:$0x1] =	wrdreg $0xFFFFFFFF  }
0x39: {  	_ =	task.clear_ibuf [dreg:s7], $0x2FFFF;
	_ =	strace $0x9FFFFFFF  }
0x3a: {  	(tm) =	ssettm $0x7FFFFFFF  }
0x3b: {  	_ =	shalt  }
tec
execute0_lowered:
.L_overlay_start_1:
0x0: {  	(tag) =	ssettag $0x1  }
0x1: {  	s4 =	rddreg [dreg:$0x0]  }
0x2: {  	s0 =	stileid.u32;
	s2 =	rddreg [dreg:$0x1]  }
0x3: {  	s7 =	srdreg.scid;
	s8 =	simm.s32 $0x2;
	s16 =	simm.s32 $0x0  }
0x4: {  	s9 =	simm.s32 $0x2000;
	s15 =	simm.s32 $0x0;
	s1 =	sshll.u32 s0, $0x7  }
0x5: {  	s10 =	simm.s32 $0x0;
	s11 =	simm.s32 $0x0;
	s3 =	sand.u32 $0x380, s1  }
0x6: {  	s14 =	simm.s32 $0x0;
	s7 =	sshll.u32 s7, $0x4;
	s5 =	ssub.s32 $0x400, s3  }
0x7: {  	s4 =	sadd.s32 $0x1200, s4;
	s1 =	rddreg [dreg:$0x2];
	s6 =	sand.u32 $0x380, s5  }
0x8: {  	s7 =	sand.u32 $0x10, s7;
	p0 =	sne.s32 s6, $0x0;
	s6 =	simm.s32 $0x1  }
.Ltmp0:
0x9: {  	s5 =	sshrl.u32 s5, $0xA;
	s6 =	simm.s32 @!p0 $0x0;
	(pc) =	sbr.rel .LBB1_1-.Ltmp0, $4  }
0xa: {  	_ =	strace $0x8000004A;
	s7 =	sor.u32 s0, s7;
	s6 =	sadd.s32 s6, s5  }
0xb: {  	s7 =	sshrl.u32 s7, $0x3;
	s5 =	simm.s32 $0x1;
	s6 =	smul.u32 $0x32, s6  }
0xc: {  	s13 =	smov.u32 s3;
	s12 =	smov.u32 s7;
	[sflag:s5] =	ssyncpa.u1 $0x0  }
0xd: {  	p0 =	por $0x0, $0x0;
	[sflag:s8] =	ssyncpa.u1 $0x0;
	s8 =	sor.u32 $0x1, s6  }
.LBB1_4:
0xe: {  	s21 =	sshra.s32 s21, $0x2  }
0xf: {  	v5 =	vld [tilespmem:s18+$0xFFFFFFD0];
	s30 =	sshrl.u32 s11, $0x7;
	p1 =	sgt.s32 s10, $0xC7;
	s22 =	smov.u32 s10  }
0x10: {  	[tilespmem:s19+$0x2040 ss:$0x81] =	vst.msk $0xffff, v4;
	s23 =	sshra.s32 s10, $0x1F;
	v58 =	vld [tilespmem:s18+$0xFFFFFFE0];
	s25 =	sshra.s32 s11, $0x1F;
	s27 =	smul.u32 $0x3000, s10  }
0x11: {  	[tilespmem:s19+$0x2850 ss:$0x81] =	vst.msk $0xffff, v3;
	v59 =	vld [tilespmem:s18+$0xFFFFFFF0];
	s28 =	sshrl.u32 s11, $0x3;
	s20 =	sadd.s32 s21, s20;
	s21 =	sand.u32 $0x3FFFFF, s30  }
0x12: {  	[tilespmem:s19+$0x3060 ss:$0x81] =	vst.msk $0xffff, v2;
	v60 =	vld [tilespmem:s18+$0x0];
	s22 =	simm.s32 @!p1 $0xC7;
	s23 =	sand.u32 s23, s10;
	p1 =	sgt.s32 s11, $0x380  }
0x13: {  	[tilespmem:s19+$0x0 ss:$0x81] =	vst.msk $0xffff, v1;
	v61 =	vld [tilespmem:s18+$0x10];
	s25 =	sand.u32 s25, s11;
	s22 =	ssub.s32 s22, s23;
	s23 =	smov.u32 s11  }
0x14: {  	s24 =	smulhi.u32 $0x2AAAAAB, s21;
	[tilespmem:s20+$0x3870 ss:$0x81] =	vst.msk $0xffff, v0;
	s31 =	ssub.s32 $0xC8, s22;
	s23 =	simm.s32 @!p1 $0x380  }
0x15: {  	v62 =	vld [tilespmem:s18+$0x20];
	s22 =	sadd.s32 $0xFFFFFF39, s22;
	s23 =	ssub.s32 s23, s25;
	s19 =	smul.u32 $0x60, s31;
	[tilespmem:s20+$0x810 ss:$0x81] =	vst.msk $0xffff, v5  }
0x16: {  	v63 =	vld [tilespmem:s18+$0xFFFFFFC0];
	s24 =	smul.u32 $0x60, s24;
	p1 =	sgt.s32 s22, $0x0;
	s26 =	sadd.s32 $0xFFFFFC80, s23;
	[tilespmem:s20+$0x1020 ss:$0x81] =	vst.msk $0xffff, v58  }
0x17: {  	s18 =	ssub.s32 $0x400, s23;
	[tilespmem:s20+$0x1830 ss:$0x81] =	vst.msk $0xffff, v59;
	s19 =	simm.s32 @p1 $0x0;
	p1 =	sgt.s32 s26, $0x7F  }
0x18: {  	s29 =	sand.u32 $0x7, s11;
	s22 =	sadd.s32 s2, s27;
	[tilespmem:s20+$0x2040 ss:$0x81] =	vst.msk $0xffff, v60;
	s18 =	simm.s32 @p1 $0x0  }
0x19: {  	[tilespmem:s20+$0x2850 ss:$0x81] =	vst.msk $0xffff, v61;
	s21 =	ssub.s32 s21, s24;
	s18 =	smul.u32 s18, s19;
	s19 =	sand.u32 $0xF, s28  }
0x1a: {  	s30 =	sshll.u32 s29, $0x12;
	[tilespmem:s20+$0x3060 ss:$0x81] =	vst.msk $0xffff, v62;
	s21 =	sshll.u32 s21, $0x7;
	s19 =	sadd.s32 s19, s22  }
0x1b: {  	s31 =	sor.u32 $0x400, s30;
	[tilespmem:s20+$0x0 ss:$0x81] =	vst.msk $0xffff, v63;
	s18 =	sand.u32 $0x3FFFFFE0, s18;
	s19 =	sadd.s32 s21, s19  }
0x1c: {  	[hbm4b:s19+s31] =	stream.strided.scatter [tilespmem:s17], [sflag:$0x2], s18, s9, s31, $0x20;
	[tilespmem:$0x10100] =	vst v63  }
.LBB1_5:
0x1d: {  	p1 =	slt.u32 s14, $0x2  }
0x1e: {  	s18 =	smov.u32 s16;
	p2 =	sgt.s32 @!p1 s16, $0xC7;
	s17 =	sshra.s32 @!p1 s16, $0x1F  }
0x1f: {  	p3 =	sgt.s32 @!p1 s15, $0x380;
	s19 =	sshra.s32 @!p1 s15, $0x1F;
	p2 =	por !p2, p1  }
0x20: {  	s16 =	sand.u32 @!p1 s17, s16;
	p3 =	por !p3, p1;
	s17 =	smov.u32 s15  }
0x21: {  	s15 =	sand.u32 @!p1 s19, s15;
	s18 =	simm.s32 @p2 $0xC7;
	s17 =	simm.s32 @p3 $0x380  }
0x22: {  	s19 =	smov.u32 s13;
	s16 =	ssub.s32 @!p1 s18, s16;
	s15 =	ssub.s32 @!p1 s17, s15  }
0x23: {  	s17 =	sadd.s32 @!p1 $0xFFFFFF39, s16;
	s16 =	ssub.s32 @!p1 $0xC8, s16;
	s18 =	sadd.s32 @!p1 $0xFFFFFC80, s15  }
0x24: {  	p2 =	sgt.s32 @!p1 s17, $0x0;
	s16 =	smul.u32 @!p1 $0x60, s16;
	p3 =	sgt.s32 @!p1 s18, $0x7F  }
0x25: {  	s15 =	ssub.s32 @!p1 $0x400, s15;
	p2 =	por !p2, p1;
	p3 =	por !p3, p1  }
0x26: {  	s17 =	sadd.s32 $0x4, s12;
	s16 =	simm.s32 @!p2 $0x0;
	s15 =	simm.s32 @!p3 $0x0  }
0x27: {  	p2 =	sgt.s32 s17, $0xC7;
	s15 =	smul.u32 @!p1 s15, s16;
	s16 =	sadd.s32 $0x400, s13  }
0x28: {  	s19 =	smov.u32 @p2 s16  }
0x29: {  	s17 =	smov.u32 @p2 s7;
	p2 =	sgt.s32 s19, $0x3FF  }
0x2a: {  	s19 =	smov.u32 @p2 s3;
	p2 =	sne.s32 s14, s8  }
.Ltmp1:
0x2b: {  	p0 =	por !p0, !p0;
	s18 =	simm.s32 @!p1 $0x2;
	(pc) =	sbr.rel @!p2 .LBB1_6-.Ltmp1, $4  }
0x2c: {  	s16 =	smov.u32 s10;
	s10 =	smov.u32 s12;
	s15 =	sand.u32 @!p1 $0x3FFFFFE0, s15  }
0x2d: {  	s12 =	smov.u32 s17;
	_ =	swait.ge @!p1 [sflag:s18], s15;
	s20 =	ssub.s32 @!p1 $0x0, s15  }
0x2e: {  	s15 =	smov.u32 s11;
	s14 =	sadd.s32 $0x1, s14;
	[sflag:s18] =	ssyncset.done @!p1 $0x0  }
0x2f: {  	s11 =	smov.u32 s13;
	s13 =	smov.u32 s19;
	[sflag:s18] =	ssyncadd.s32 @!p1 s20  }
.LBB1_1:
0x30: {  	p1 =	sge.u32 s14, s6  }
0x31: {  	s17 =	sand.u32 @!p1 $0x1FFFFFF, s12  }
0x32: {  	s18 =	smulhi.u32 @!p1 $0x147AE15, s17;
	_ =	sdelay $0x1  }
0x33: {  	s18 =	smul.u32 @!p1 $0xC8, s18  }
0x34: {  	s19 =	sxor.u32 @!p1 $0xFFFFFFFF, s14;
	s20 =	smul.u32 @!p1 $0xC80, s13  }
0x35: {  	s31 =	sadd.s32 $0xFFFFFFFF, s14;
	s19 =	sshll.u32 @!p1 s19, $0xE;
	s17 =	ssub.s32 @!p1 s17, s18  }
0x36: {  	s18 =	sand.u32 @!p1 $0x4000, s19;
	s19 =	sadd.s32 @!p1 s4, s20;
	s17 =	sshll.u32 @!p1 s17, $0x4  }
0x37: {  	s20 =	simm.s32 @!p1 $0x6400;
	s17 =	sadd.s32 @!p1 s17, s19;
	s19 =	simm.s32 @!p1 $0x80  }
0x38: {  	[tilespmem:s18], [sflag:$0x1] =	stream.strided.gather @!p1 [hbm4b:s17+s19], $0x4000, s20, s19, $0x38;
	[tilespmem:$0x10100] =	vst v63  }
0x39: {  	p1 =	sge.u32 s31, s6  }
.Ltmp2:
0x3a: {  	_ = 	snop;
	(pc) =	sbr.rel @p1 .LBB1_5-.Ltmp2, $1  }
0x3b: {  	_ =	sdelay $0x3  }
0x3c: {  	s17 =	simm.s32 $0x1  }
0x3d: {  	_ =	swait.ge [sflag:s5], $0x4000;
	s17 =	simm.s32 @!p0 $0x0  }
0x3e: {  	[sflag:s5] =	ssyncset.done $0x0;
	s18 =	sshll.u32 s17, $0xE  }
0x3f: {  	[sflag:s5] =	ssyncadd.s32 $0xFFFFC000;
	s18 =	sor.u32 $0x40, s18  }
0x40: {  	s17 =	smul.u32 $0x10200, s17;
	v0 =	vld [tilespmem:s18+$0x30]  }
0x41: {  	v1 =	vld [tilespmem:s18+$0xFFFFFFD0]  }
0x42: {  	s17 =	sshrl.u32 s17, $0x2;
	v5 =	vld [tilespmem:s18+$0xFFFFFFE0]  }
0x43: {  	v6 =	vld [tilespmem:s18+$0xFFFFFFF0];
	s20 =	sor.u32 $0x8000, s17  }
0x44: {  	s31 =	sand.u32 $0x1, s14;
	v4 =	vld [tilespmem:s18+$0x0];
	s19 =	sadd.s32 $0x0, s20  }
0x45: {  	v3 =	vld [tilespmem:s18+$0x10];
	s17 =	smul.u32 $0x10200, s31;
	[tilespmem:s19+$0x3870 ss:$0x81] =	vst.msk $0xffff, v0  }
0x46: {  	v2 =	vld [tilespmem:s18+$0x20];
	[tilespmem:s19+$0x810 ss:$0x81] =	vst.msk $0xffff, v1  }
0x47: {  	s17 =	sshrl.u32 s17, $0x2;
	v1 =	vld [tilespmem:s18+$0xFFFFFFC0];
	[tilespmem:s19+$0x1020 ss:$0x81] =	vst.msk $0xffff, v5;
	s18 =	sadd.s32 $0x80, s18  }
0x48: {  	s21 =	simm.s32 $0x4;
	s22 =	simm.s32 $0x8;
	s17 =	sor.u32 $0x8000, s17;
	[tilespmem:s19+$0x1830 ss:$0x81] =	vst.msk $0xffff, v6;
	v0 =	vld [tilespmem:s18+$0x30]  }
.LBB1_3:
0x49: {  	p1 =	sne.s32 s22, $0x1FC;
	v5 =	vld [tilespmem:s18+$0xFFFFFFD0];
	[tilespmem:s19+$0x2040 ss:$0x81] =	vst.msk $0xffff, v4  }
0x4a: {  	v6 =	vld [tilespmem:s18+$0xFFFFFFE0];
	[tilespmem:s19+$0x2850 ss:$0x81] =	vst.msk $0xffff, v3  }
0x4b: {  	s23 =	sshra.s32 s21, $0x2;
	s21 =	smov.u32 s22;
	v7 =	vld [tilespmem:s18+$0xFFFFFFF0];
	[tilespmem:s19+$0x3060 ss:$0x81] =	vst.msk $0xffff, v2  }
.Ltmp3:
0x4c: {  	v4 =	vld [tilespmem:s18+$0x0];
	[tilespmem:s19+$0x0 ss:$0x81] =	vst.msk $0xffff, v1;
	s19 =	sadd.s32 s23, s20;
	(pc) =	sbr.rel @p1 .LBB1_3-.Ltmp3, $4  }
0x4d: {  	v3 =	vld [tilespmem:s18+$0x10];
	[tilespmem:s19+$0x3870 ss:$0x81] =	vst.msk $0xffff, v0  }
0x4e: {  	[tilespmem:s19+$0x810 ss:$0x81] =	vst.msk $0xffff, v5;
	v2 =	vld [tilespmem:s18+$0x20]  }
0x4f: {  	v1 =	vld [tilespmem:s18+$0xFFFFFFC0];
	[tilespmem:s19+$0x1020 ss:$0x81] =	vst.msk $0xffff, v6;
	s18 =	sadd.s32 $0x80, s18  }
0x50: {  	s22 =	sadd.s32 $0x4, s22;
	v0 =	vld [tilespmem:s18+$0x30];
	[tilespmem:s19+$0x1830 ss:$0x81] =	vst.msk $0xffff, v7  }
.Ltmp4:
0x51: {  	_ = 	snop;
	(pc) =	sbr.rel .LBB1_4-.Ltmp4, $1  }
0x52: {  	_ =	sdelay $0x3  }
.LBB1_6:
0x53: {  	_ =	sfence.sel $0x180000  }
0x54: {  	s2 =	simm.s32 $0x1;
	[bflag:$0x0] =	sbarrier.arrive $0xFFFF  }
0x55: {  	s31 =	simm.s32 $0x2;
	[sflag:s2] =	ssyncpa.u1 $0x1  }
0x56: {  	[sflag:s31] =	ssyncpa.u1 $0x1  }
0x57: {  	p0 =	sne.s32 s0, $0x0;
	_ =	strace $0x9000004A  }
0x58: {  	s0 =	sadd.s32 @!p0 $0x100000, s1;
	[bflag:$0x2] =	sbarrier.arrive $0xFFFF  }
0x59: {  	[sflag:s0] =	ssyncadd.tile.s32 @!p0 $0x1;
	_ =	shalt  }
.Lfunc_end1:
_tile_overlayer_lowered:
.L_overlay_start_2:
0x5a: {  	(tag) =	ssettag $0x2  }
0x5b: {  	s0 =	rddreg [dreg:$0x0];
	s2 =	stileid.u32  }
0x5c: {  	s1 =	rddreg [dreg:$0x1];
	p0 =	sne.s32 s2, $0x0  }
0x5d: {  	s3 =	rddreg [dreg:$0x2];
	[bflag:$0x3] =	sbarrier.arrive $0xFFFF;
	s2 =	simm.s32 @!p0 $0x1C01  }
0x5e: {  	[timem:s3], [sflag:s2] =	dma.local @!p0 [hbm:s0], s1  }
0x5f: {  	s0 =	simm.s32 @!p0 $0x1  }
0x60: {  	_ =	swait.ge @!p0 [sflag:s0], s1  }
0x61: {  	s1 =	ssub.s32 @!p0 $0x0, s1;
	[sflag:s0] =	ssyncset.done @!p0 $0x0  }
0x62: {  	[sflag:s0] =	ssyncadd.s32 @!p0 s1  }
0x63: {  	[bflag:$0x3] =	sbarrier.arrive $0xFFFF  }
0x64: {  	_ =	shalt  }

</sc_bundles>
